<compile_context>
chip_gen: v7x
topology: tpu7x:2x2x1
jax: 0.10.2.dev20260603
libtpu: 0.0.44.dev20260713+nightly
codegen_flags: <defaults>
</compile_context>

<pallas_src>
import functools

import jax
import jax.numpy as jnp
from jax import lax
from jax.experimental import pallas as pl
from jax.experimental.pallas import tpu as pltpu
from jax.experimental.pallas import tpu_sc as plsc

N = 10000
E = 320000
D = 128

NC = 2
NS = 16
NW = NC * NS
K = 128
TRIPS = 80
E_PAD = NW * TRIPS * K
N_CHUNKS = E_PAD // K
ROWS_MAIN = 624
ROWS_TAIL = N - ROWS_MAIN * NS
N_ACC = N + 16
DEG_W = 16

def _worker_id():
    return lax.axis_index("s") * NC + lax.axis_index("c")


@functools.cache
def _degree_kernel():
    mesh = plsc.VectorSubcoreMesh(
        core_axis_name="c", subcore_axis_name="s", num_cores=NC, num_subcores=NS)
    return functools.partial(
        pl.kernel,
        out_type=jax.ShapeDtypeStruct((NC, N, DEG_W), jnp.float32),
        mesh=mesh,
        scratch_types=[
            pltpu.VMEM_SHARED((N_ACC, DEG_W), jnp.float32),
            pltpu.VMEM((ROWS_MAIN, DEG_W), jnp.float32),
            pltpu.VMEM((K, DEG_W), jnp.float32),
            pltpu.VMEM((TRIPS, K), jnp.int32),
        ],
    )(_degree_body)


def _degree_body(dst_hbm, deg_hbm, shared_deg, zbuf, ones, idx):
    c = lax.axis_index("c")
    s = lax.axis_index("s")
    w = _worker_id()

    def fill(i, _):
        zbuf[i, :] = jnp.zeros((DEG_W,), jnp.float32)
        return 0

    lax.fori_loop(0, ROWS_MAIN, fill, 0)

    def fill1(i, _):
        ones[i, :] = jnp.full((DEG_W,), 1.0, jnp.float32)
        return 0

    lax.fori_loop(0, K, fill1, 0)

    pltpu.sync_copy(zbuf, shared_deg.at[pl.ds(s * ROWS_MAIN, ROWS_MAIN), :])

    @pl.when(s == NS - 1)
    def _():
        tail = ROWS_TAIL + 16
        pltpu.sync_copy(zbuf.at[pl.ds(0, tail), :],
                        shared_deg.at[pl.ds(NS * ROWS_MAIN, tail), :])

    pltpu.sync_copy(dst_hbm.at[pl.ds(w * TRIPS, TRIPS), :], idx)
    plsc.subcore_barrier()

    def body(j, _):
        pltpu.sync_copy(ones, shared_deg.at[idx.at[j]], add=True)
        return 0

    lax.fori_loop(0, TRIPS, body, 0)
    plsc.subcore_barrier()

    sl = pl.ds(s * ROWS_MAIN, ROWS_MAIN)
    pltpu.sync_copy(shared_deg.at[sl, :], deg_hbm.at[c, sl, :])

    @pl.when(s == NS - 1)
    def _():
        tl = pl.ds(NS * ROWS_MAIN, ROWS_TAIL)
        pltpu.sync_copy(shared_deg.at[tl, :], deg_hbm.at[c, tl, :])


def _linear_body(x_ref, w1_ref, w3_ref, wg_ref, b1_ref, b3_ref, deg_ref,
                 h2_ref, dis_ref, wf_ref, bf_ref):
    @pl.when(pl.program_id(0) == 0)
    def _():
        w13 = jnp.dot(w1_ref[...], w3_ref[...], preferred_element_type=jnp.float32)
        wf_ref[...] = jnp.dot(w13, wg_ref[...], preferred_element_type=jnp.float32)
        b13 = jnp.dot(b1_ref[...], w3_ref[...], preferred_element_type=jnp.float32)
        bf_ref[...] = jnp.dot(b13 + b3_ref[...], wg_ref[...],
                              preferred_element_type=jnp.float32)

    deg = deg_ref[0, :, 0:1] + deg_ref[1, :, 0:1] + 1.0
    dis = lax.rsqrt(deg)
    h = jnp.dot(x_ref[...], wf_ref[...], preferred_element_type=jnp.float32)
    h2_ref[...] = (h + bf_ref[...]) * dis
    dis_ref[...] = dis


def _linear(x, w1, w3, wg, b1, b3, deg):
    r = 2000
    g = N // r
    return pl.pallas_call(
        _linear_body,
        grid=(g,),
        in_specs=[
            pl.BlockSpec((r, D), lambda i: (i, 0)),
            pl.BlockSpec((D, D), lambda i: (0, 0)),
            pl.BlockSpec((D, D), lambda i: (0, 0)),
            pl.BlockSpec((D, D), lambda i: (0, 0)),
            pl.BlockSpec((1, D), lambda i: (0, 0)),
            pl.BlockSpec((1, D), lambda i: (0, 0)),
            pl.BlockSpec((NC, r, DEG_W), lambda i: (0, i, 0)),
        ],
        out_specs=[
            pl.BlockSpec((r, D), lambda i: (i, 0)),
            pl.BlockSpec((r, 1), lambda i: (i, 0)),
        ],
        out_shape=[
            jax.ShapeDtypeStruct((N, D), jnp.float32),
            jax.ShapeDtypeStruct((N, 1), jnp.float32),
        ],
        scratch_shapes=[
            pltpu.VMEM((D, D), jnp.float32),
            pltpu.VMEM((1, D), jnp.float32),
        ],
    )(x, w1, w3, wg, b1, b3, deg)


@functools.cache
def _scatter_kernel():
    mesh = plsc.VectorSubcoreMesh(
        core_axis_name="c", subcore_axis_name="s", num_cores=NC, num_subcores=NS)
    return functools.partial(
        pl.kernel,
        out_type=jax.ShapeDtypeStruct((NC, N, D), jnp.float32),
        mesh=mesh,
        scratch_types=[
            pltpu.VMEM_SHARED((N_ACC, D), jnp.float32),
            pltpu.VMEM((K, D), jnp.float32),
            pltpu.VMEM((1, K), jnp.int32),
            pltpu.VMEM((1, K), jnp.int32),
            pltpu.SemaphoreType.DMA,
        ],
    )(_scatter_body)


def _scatter_body(h2_hbm, src_hbm, dst_hbm, agg_hbm,
                  shared_acc, rows, src_sl, dst_sl, sem0):
    c = lax.axis_index("c")
    s = lax.axis_index("s")
    w = _worker_id()

    def fill(i, _):
        r = i // (D // 16)
        col = (i % (D // 16)) * 16
        rows[r, pl.ds(col, 16)] = jnp.zeros((16,), jnp.float32)
        return 0

    lax.fori_loop(0, K * (D // 16), fill, 0)

    for i in range(4):
        pltpu.sync_copy(
            rows, shared_acc.at[pl.ds(s * ROWS_MAIN + i * K, K), :])
    pltpu.sync_copy(rows.at[pl.ds(0, 112), :],
                    shared_acc.at[pl.ds(s * ROWS_MAIN + 4 * K, 112), :])

    @pl.when(s == NS - 1)
    def _():
        tail = ROWS_TAIL + 16
        pltpu.sync_copy(rows.at[pl.ds(0, tail), :],
                        shared_acc.at[pl.ds(NS * ROWS_MAIN, tail), :])

    plsc.subcore_barrier()

    def body(j, _):
        base = (w * TRIPS + j) * K
        pltpu.sync_copy(src_hbm.at[pl.ds(base, K)], src_sl.at[0])
        pltpu.sync_copy(dst_hbm.at[pl.ds(base, K)], dst_sl.at[0])
        pltpu.async_copy(h2_hbm.at[src_sl.at[0]], rows, sem0).wait()
        pltpu.sync_copy(rows, shared_acc.at[dst_sl.at[0]], add=True)
        return 0

    trips = jnp.clip(E // K - w * TRIPS, 0, TRIPS)
    lax.fori_loop(0, trips, body, 0)
    plsc.subcore_barrier()

    sl = pl.ds(s * ROWS_MAIN, ROWS_MAIN)
    pltpu.sync_copy(shared_acc.at[sl, :], agg_hbm.at[c, sl, :])

    @pl.when(s == NS - 1)
    def _():
        tl = pl.ds(NS * ROWS_MAIN, ROWS_TAIL)
        pltpu.sync_copy(shared_acc.at[tl, :], agg_hbm.at[c, tl, :])


def _epilogue_body(agg_ref, h2_ref, dis_ref, bg_ref, out_ref):
    total = agg_ref[0] + agg_ref[1] + h2_ref[...]
    out_ref[...] = total * dis_ref[...] + bg_ref[...]


def _epilogue(agg, h2, dis, bg):
    r = 2000
    g = N // r
    return pl.pallas_call(
        _epilogue_body,
        grid=(g,),
        in_specs=[
            pl.BlockSpec((NC, r, D), lambda i: (0, i, 0)),
            pl.BlockSpec((r, D), lambda i: (i, 0)),
            pl.BlockSpec((r, 1), lambda i: (i, 0)),
            pl.BlockSpec((1, D), lambda i: (0, 0)),
        ],
        out_specs=pl.BlockSpec((r, D), lambda i: (i, 0)),
        out_shape=jax.ShapeDtypeStruct((N, D), jnp.float32),
    )(agg, h2, dis, bg)


def kernel(x, edge_index, batch, W1, b1, W3, b3, Wg, bg):
    del batch
    npad = E_PAD - E
    src = jnp.concatenate([edge_index[0], jnp.zeros((npad,), jnp.int32)])
    pad_dst = N + (jnp.arange(npad, dtype=jnp.int32) % 16)
    dst = jnp.concatenate([edge_index[1], pad_dst])
    deg = _degree_kernel()(dst.reshape(N_CHUNKS, K))
    h2, dis = _linear(x, W1, W3, Wg, b1.reshape(1, D), b3.reshape(1, D), deg)
    agg = _scatter_kernel()(h2, src, dst)
    return _epilogue(agg, h2, dis, bg.reshape(1, D))

# --- scband reference (transcript-rebuilt; emitter-appended) ---
"""Pipeline reference for scband-decoder-16157666968393 (READ-ONLY COPY).

The authoritative reference and input builder live on the scoring server;
editing this copy changes nothing except your own understanding.
"""

import jax, jax.numpy as jnp
import numpy as np

N = 10000
E = 320000
D_LAT = 128
D_H = 128
D_IN = 128


def setup_inputs(seed: int = 0) -> dict:
    key = jax.random.key(seed)
    ks = jax.random.split(key, 10)
    x = jax.random.normal(ks[0], (N, D_LAT), dtype=jnp.float32)
    edge_index = jax.random.randint(ks[1], (2, E), 0, N, dtype=jnp.int32)
    batch = jnp.sort(jax.random.randint(ks[2], (N,), 0, 64, dtype=jnp.int32))
    # linear1: latent_dims -> latent_dims  (stored as [in, out])
    W1 = jax.random.normal(ks[3], (D_LAT, D_LAT), dtype=jnp.float32) * (1.0 / np.sqrt(D_LAT))
    b1 = jnp.zeros((D_LAT,), dtype=jnp.float32)
    # linear3: latent_dims -> dim_h
    W3 = jax.random.normal(ks[4], (D_LAT, D_H), dtype=jnp.float32) * (1.0 / np.sqrt(D_LAT))
    b3 = jnp.zeros((D_H,), dtype=jnp.float32)
    # GCNConv: dim_h -> dim_in
    Wg = jax.random.normal(ks[5], (D_H, D_IN), dtype=jnp.float32) * (1.0 / np.sqrt(D_H))
    bg = jnp.zeros((D_IN,), dtype=jnp.float32)
    return {"x": x, "edge_index": edge_index, "batch": batch,
            "W1": W1, "b1": b1, "W3": W3, "b3": b3, "Wg": Wg, "bg": bg}


def _gcn_conv(h, edge_index, Wg, bg, n_nodes):
    # PyG GCNConv: add self-loops, symmetric normalization, scatter-add aggregation
    h = h @ Wg
    src = edge_index[0]
    dst = edge_index[1]
    loop = jnp.arange(n_nodes, dtype=src.dtype)
    src_a = jnp.concatenate([src, loop])
    dst_a = jnp.concatenate([dst, loop])
    deg = jnp.zeros((n_nodes,), dtype=h.dtype).at[dst_a].add(1.0)
    deg_inv_sqrt = jnp.where(deg > 0, 1.0 / jnp.sqrt(deg), 0.0)
    norm = deg_inv_sqrt[src_a] * deg_inv_sqrt[dst_a]
    msgs = h[src_a] * norm[:, None]
    out = jnp.zeros((n_nodes, h.shape[1]), dtype=h.dtype).at[dst_a].add(msgs)
    return out + bg


def reference(x, edge_index, batch, W1, b1, W3, b3, Wg, bg):
    l1 = x @ W1 + b1
    l3 = l1 @ W3 + b3
    g2 = _gcn_conv(l3, edge_index, Wg, bg, x.shape[0])
    return g2

if __name__ == "__main__":
    import jax
    _d = setup_inputs()
    print(jax.jit(kernel)(*tuple(_d.values())))

</pallas_src>

<mosaic_0001>
#map = affine_map<(d0, d1) -> (0, 0)>
#map1 = affine_map<(d0, d1) -> (0)>
#map2 = affine_map<(d0, d1) -> (0, 0, 0)>
module attributes {stable_mosaic.version = 14 : i64} {
  func.func @_scatter_body(%arg0: i32, %arg1: i32, %arg2: memref<10000x128xf32, #tpu.memory_space<hbm>>, %arg3: memref<327680xi32, #tpu.memory_space<hbm>>, %arg4: memref<327680xi32, #tpu.memory_space<hbm>>, %arg5: memref<2x10000x128xf32, #tpu.memory_space<hbm>>, %arg6: memref<10016x128xf32, #tpu.memory_space<vmem_shared>>, %arg7: memref<128x128xf32, #tpu.memory_space<vmem>>, %arg8: memref<1x128xi32, #tpu.memory_space<vmem>>, %arg9: memref<1x128xi32, #tpu.memory_space<vmem>>, %arg10: memref<!tpu.dma_semaphore, #tpu.memory_space<semaphore_mem>>) attributes {dimension_semantics = [#tpu.dimension_semantics<core_parallel>, #tpu.dimension_semantics<subcore_parallel>], iteration_bounds = array<i64: 2, 16>, scalar_prefetch = 0 : i64, scratch_operands = 5 : i64, tpu.core_type = #tpu.core_type<sc_vector_subcore>, window_params = [{transform_indices = #map}, {transform_indices = #map1}, {transform_indices = #map1}, {transform_indices = #map2}]} {
    %mul3A = arith.constant 2 : i32
    %mul3A_0 = arith.muli %arg1, %mul3A : i32
    %add3A = arith.addi %mul3A_0, %arg0 : i32
    %scan3A = arith.constant 0 : i32
    %scan3A_1 = arith.constant 0 : i32
    %scan3A_2 = arith.constant 1024 : i32
    %scan3A_3 = arith.addi %scan3A_1, %scan3A_2 : i32
    %scan3A_4 = arith.constant 1 : i32
    %scan3A_5 = scf.for %scan3A_52 = %scan3A_1 to %scan3A_3 step %scan3A_4 iter_args(%scan3A_53 = %scan3A) -> (i32)  : i32 {
      %jit3A_54 = arith.constant 8 : i32
      %div3A = arith.divsi %scan3A_52, %jit3A_54 : i32
      %sign3A = arith.constant 0 : i32
      %sign3A_55 = arith.cmpi sgt, %scan3A_52, %sign3A : i32
      %sign3A_56 = arith.extui %sign3A_55 : i1 to i32
      %sign3A_57 = arith.constant 0 : i32
      %sign3A_58 = arith.cmpi slt, %scan3A_52, %sign3A_57 : i32
      %sign3A_59 = arith.extui %sign3A_58 : i1 to i32
      %sign3A_60 = arith.subi %sign3A_56, %sign3A_59 : i32
      %sign3A_61 = arith.constant 0 : i32
      %sign3A_62 = arith.cmpi sgt, %jit3A_54, %sign3A_61 : i32
      %sign3A_63 = arith.extui %sign3A_62 : i1 to i32
      %sign3A_64 = arith.constant 0 : i32
      %sign3A_65 = arith.cmpi slt, %jit3A_54, %sign3A_64 : i32
      %sign3A_66 = arith.extui %sign3A_65 : i1 to i32
      %sign3A_67 = arith.subi %sign3A_63, %sign3A_66 : i32
      %ne3A = arith.cmpi ne, %sign3A_60, %sign3A_67 : i32
      %rem3A = arith.remsi %scan3A_52, %jit3A_54 : i32
      %ne3A_68 = arith.constant 0 : i32
      %ne3A_69 = arith.cmpi ne, %rem3A, %ne3A_68 : i32
      %and3A = arith.andi %ne3A, %ne3A_69 : i1
      %sub3A_70 = arith.constant 1 : i32
      %sub3A_71 = arith.subi %div3A, %sub3A_70 : i32
      %select_n3A = arith.select %and3A, %sub3A_71, %div3A : i32
      %jit3A_72 = arith.constant 8 : i32
      %eq3A_73 = arith.constant 0 : i32
      %eq3A_74 = arith.cmpi eq, %jit3A_72, %eq3A_73 : i32
      %jit3A_75 = arith.constant 1 : i32
      %select_n3A_76 = arith.select %eq3A_74, %jit3A_75, %jit3A_72 : i32
      %rem3A_77 = arith.remsi %scan3A_52, %select_n3A_76 : i32
      %ne3A_78 = arith.constant 0 : i32
      %ne3A_79 = arith.cmpi ne, %rem3A_77, %ne3A_78 : i32
      %lt3A = arith.constant 0 : i32
      %lt3A_80 = arith.cmpi slt, %rem3A_77, %lt3A : i32
      %lt3A_81 = arith.constant 0 : i32
      %lt3A_82 = arith.cmpi slt, %select_n3A_76, %lt3A_81 : i32
      %ne3A_83 = arith.xori %lt3A_80, %lt3A_82 : i1
      %and3A_84 = arith.andi %ne3A_83, %ne3A_79 : i1
      %add3A_85 = arith.addi %rem3A_77, %select_n3A_76 : i32
      %select_n3A_86 = arith.select %and3A_84, %add3A_85, %rem3A_77 : i32
      %mul3A_87 = arith.constant 16 : i32
      %mul3A_88 = arith.muli %select_n3A_86, %mul3A_87 : i32
      %broadcast_in_dim3A = arith.constant 0.000000e+00 : f32
      %broadcast_in_dim3A_89 = vector.broadcast %broadcast_in_dim3A : f32 to vector<16xf32>
      %swap3A = arith.index_cast %select_n3A : i32 to index
      %swap3A_90 = arith.index_cast %mul3A_88 : i32 to index
      %swap3A_91 = tpu.vector_load %arg7[%swap3A, %swap3A_90] {strides = array<i32>} : memref<128x128xf32, #tpu.memory_space<vmem>>, vector<1x16xf32>,
      %swap3A_92 = vector.shape_cast %swap3A_91 : vector<1x16xf32> to vector<16xf32>
      %swap3A_93 = vector.shape_cast %broadcast_in_dim3A_89 : vector<16xf32> to vector<1x16xf32>
      tpu.vector_store %arg7[%swap3A, %swap3A_90], %swap3A_93 {strides = array<i32>} : memref<128x128xf32, #tpu.memory_space<vmem>>, vector<1x16xf32>,
      %scan3A_94 = arith.constant 0 : i32
      scf.yield %scan3A_94 : i32
    }
    %scan3A_6 = arith.constant 1024 : i32
    %mul3A_7 = arith.constant 624 : i32
    %mul3A_8 = arith.muli %arg1, %mul3A_7 : i32
    %add3A_9 = arith.constant 0 : i32
    %add3A_10 = arith.addi %mul3A_8, %add3A_9 : i32
    "tpu.region"() ({
      %run_scoped3A = tpu.sem_alloc : memref<!tpu.dma_semaphore, #tpu.memory_space<semaphore_mem>>
      %dma_start3A = arith.constant 0 : i32
      %dma_start3A_52 = tpu.memref_slice %arg6[%add3A_10, %dma_start3A] : memref<10016x128xf32, #tpu.memory_space<vmem_shared>> -> memref<128x128xf32, #tpu.memory_space<vmem_shared>>
      %dma_start3A_53 = arith.constant 0 : i32
      %dma_start3A_54 = tpu.memref_slice %arg6[%add3A_10, %dma_start3A_53] : memref<10016x128xf32, #tpu.memory_space<vmem_shared>> -> memref<128x128xf32, #tpu.memory_space<vmem_shared>>
      tpu.enqueue_dma source(%arg7 : memref<128x128xf32, #tpu.memory_space<vmem>>) target(%dma_start3A_54 : memref<128x128xf32, #tpu.memory_space<vmem_shared>>) target_semaphore(%run_scoped3A : memref<!tpu.dma_semaphore, #tpu.memory_space<semaphore_mem>>)
      %dma_wait3A = arith.constant 0 : i32
      %dma_wait3A_55 = tpu.memref_slice %arg6[%add3A_10, %dma_wait3A] : memref<10016x128xf32, #tpu.memory_space<vmem_shared>> -> memref<128x128xf32, #tpu.memory_space<vmem_shared>>
      %dma_wait3A_56 = arith.constant 0 : i32
      %dma_wait3A_57 = tpu.memref_slice %arg6[%add3A_10, %dma_wait3A_56] : memref<10016x128xf32, #tpu.memory_space<vmem_shared>> -> memref<128x128xf32, #tpu.memory_space<vmem_shared>>
      tpu.wait_dma2 semaphore(%run_scoped3A : memref<!tpu.dma_semaphore, #tpu.memory_space<semaphore_mem>>) src(%arg7 : memref<128x128xf32, #tpu.memory_space<vmem>>) dst(%dma_wait3A_57 : memref<128x128xf32, #tpu.memory_space<vmem_shared>>)
      tpu.yield
    }) : () -> ()
    %mul3A_11 = arith.constant 624 : i32
    %mul3A_12 = arith.muli %arg1, %mul3A_11 : i32
    %add3A_13 = arith.constant 128 : i32
    %add3A_14 = arith.addi %mul3A_12, %add3A_13 : i32
    "tpu.region"() ({
      %run_scoped3A = tpu.sem_alloc : memref<!tpu.dma_semaphore, #tpu.memory_space<semaphore_mem>>
      %dma_start3A = arith.constant 0 : i32
      %dma_start3A_52 = tpu.memref_slice %arg6[%add3A_14, %dma_start3A] : memref<10016x128xf32, #tpu.memory_space<vmem_shared>> -> memref<128x128xf32, #tpu.memory_space<vmem_shared>>
      %dma_start3A_53 = arith.constant 0 : i32
      %dma_start3A_54 = tpu.memref_slice %arg6[%add3A_14, %dma_start3A_53] : memref<10016x128xf32, #tpu.memory_space<vmem_shared>> -> memref<128x128xf32, #tpu.memory_space<vmem_shared>>
      tpu.enqueue_dma source(%arg7 : memref<128x128xf32, #tpu.memory_space<vmem>>) target(%dma_start3A_54 : memref<128x128xf32, #tpu.memory_space<vmem_shared>>) target_semaphore(%run_scoped3A : memref<!tpu.dma_semaphore, #tpu.memory_space<semaphore_mem>>)
      %dma_wait3A = arith.constant 0 : i32
      %dma_wait3A_55 = tpu.memref_slice %arg6[%add3A_14, %dma_wait3A] : memref<10016x128xf32, #tpu.memory_space<vmem_shared>> -> memref<128x128xf32, #tpu.memory_space<vmem_shared>>
      %dma_wait3A_56 = arith.constant 0 : i32
      %dma_wait3A_57 = tpu.memref_slice %arg6[%add3A_14, %dma_wait3A_56] : memref<10016x128xf32, #tpu.memory_space<vmem_shared>> -> memref<128x128xf32, #tpu.memory_space<vmem_shared>>
      tpu.wait_dma2 semaphore(%run_scoped3A : memref<!tpu.dma_semaphore, #tpu.memory_space<semaphore_mem>>) src(%arg7 : memref<128x128xf32, #tpu.memory_space<vmem>>) dst(%dma_wait3A_57 : memref<128x128xf32, #tpu.memory_space<vmem_shared>>)
      tpu.yield
    }) : () -> ()
    %mul3A_15 = arith.constant 624 : i32
    %mul3A_16 = arith.muli %arg1, %mul3A_15 : i32
    %add3A_17 = arith.constant 256 : i32
    %add3A_18 = arith.addi %mul3A_16, %add3A_17 : i32
    "tpu.region"() ({
      %run_scoped3A = tpu.sem_alloc : memref<!tpu.dma_semaphore, #tpu.memory_space<semaphore_mem>>
      %dma_start3A = arith.constant 0 : i32
      %dma_start3A_52 = tpu.memref_slice %arg6[%add3A_18, %dma_start3A] : memref<10016x128xf32, #tpu.memory_space<vmem_shared>> -> memref<128x128xf32, #tpu.memory_space<vmem_shared>>
      %dma_start3A_53 = arith.constant 0 : i32
      %dma_start3A_54 = tpu.memref_slice %arg6[%add3A_18, %dma_start3A_53] : memref<10016x128xf32, #tpu.memory_space<vmem_shared>> -> memref<128x128xf32, #tpu.memory_space<vmem_shared>>
      tpu.enqueue_dma source(%arg7 : memref<128x128xf32, #tpu.memory_space<vmem>>) target(%dma_start3A_54 : memref<128x128xf32, #tpu.memory_space<vmem_shared>>) target_semaphore(%run_scoped3A : memref<!tpu.dma_semaphore, #tpu.memory_space<semaphore_mem>>)
      %dma_wait3A = arith.constant 0 : i32
      %dma_wait3A_55 = tpu.memref_slice %arg6[%add3A_18, %dma_wait3A] : memref<10016x128xf32, #tpu.memory_space<vmem_shared>> -> memref<128x128xf32, #tpu.memory_space<vmem_shared>>
      %dma_wait3A_56 = arith.constant 0 : i32
      %dma_wait3A_57 = tpu.memref_slice %arg6[%add3A_18, %dma_wait3A_56] : memref<10016x128xf32, #tpu.memory_space<vmem_shared>> -> memref<128x128xf32, #tpu.memory_space<vmem_shared>>
      tpu.wait_dma2 semaphore(%run_scoped3A : memref<!tpu.dma_semaphore, #tpu.memory_space<semaphore_mem>>) src(%arg7 : memref<128x128xf32, #tpu.memory_space<vmem>>) dst(%dma_wait3A_57 : memref<128x128xf32, #tpu.memory_space<vmem_shared>>)
      tpu.yield
    }) : () -> ()
    %mul3A_19 = arith.constant 624 : i32
    %mul3A_20 = arith.muli %arg1, %mul3A_19 : i32
    %add3A_21 = arith.constant 384 : i32
    %add3A_22 = arith.addi %mul3A_20, %add3A_21 : i32
    "tpu.region"() ({
      %run_scoped3A = tpu.sem_alloc : memref<!tpu.dma_semaphore, #tpu.memory_space<semaphore_mem>>
      %dma_start3A = arith.constant 0 : i32
      %dma_start3A_52 = tpu.memref_slice %arg6[%add3A_22, %dma_start3A] : memref<10016x128xf32, #tpu.memory_space<vmem_shared>> -> memref<128x128xf32, #tpu.memory_space<vmem_shared>>
      %dma_start3A_53 = arith.constant 0 : i32
      %dma_start3A_54 = tpu.memref_slice %arg6[%add3A_22, %dma_start3A_53] : memref<10016x128xf32, #tpu.memory_space<vmem_shared>> -> memref<128x128xf32, #tpu.memory_space<vmem_shared>>
      tpu.enqueue_dma source(%arg7 : memref<128x128xf32, #tpu.memory_space<vmem>>) target(%dma_start3A_54 : memref<128x128xf32, #tpu.memory_space<vmem_shared>>) target_semaphore(%run_scoped3A : memref<!tpu.dma_semaphore, #tpu.memory_space<semaphore_mem>>)
      %dma_wait3A = arith.constant 0 : i32
      %dma_wait3A_55 = tpu.memref_slice %arg6[%add3A_22, %dma_wait3A] : memref<10016x128xf32, #tpu.memory_space<vmem_shared>> -> memref<128x128xf32, #tpu.memory_space<vmem_shared>>
      %dma_wait3A_56 = arith.constant 0 : i32
      %dma_wait3A_57 = tpu.memref_slice %arg6[%add3A_22, %dma_wait3A_56] : memref<10016x128xf32, #tpu.memory_space<vmem_shared>> -> memref<128x128xf32, #tpu.memory_space<vmem_shared>>
      tpu.wait_dma2 semaphore(%run_scoped3A : memref<!tpu.dma_semaphore, #tpu.memory_space<semaphore_mem>>) src(%arg7 : memref<128x128xf32, #tpu.memory_space<vmem>>) dst(%dma_wait3A_57 : memref<128x128xf32, #tpu.memory_space<vmem_shared>>)
      tpu.yield
    }) : () -> ()
    %mul3A_23 = arith.constant 624 : i32
    %mul3A_24 = arith.muli %arg1, %mul3A_23 : i32
    %add3A_25 = arith.constant 512 : i32
    %add3A_26 = arith.addi %mul3A_24, %add3A_25 : i32
    "tpu.region"() ({
      %run_scoped3A = tpu.sem_alloc : memref<!tpu.dma_semaphore, #tpu.memory_space<semaphore_mem>>
      %dma_start3A = arith.constant 0 : i32
      %dma_start3A_52 = arith.constant 0 : i32
      %dma_start3A_53 = tpu.memref_slice %arg7[%dma_start3A, %dma_start3A_52] : memref<128x128xf32, #tpu.memory_space<vmem>> -> memref<112x128xf32, #tpu.memory_space<vmem>>
      %dma_start3A_54 = arith.constant 0 : i32
      %dma_start3A_55 = tpu.memref_slice %arg6[%add3A_26, %dma_start3A_54] : memref<10016x128xf32, #tpu.memory_space<vmem_shared>> -> memref<112x128xf32, #tpu.memory_space<vmem_shared>>
      %dma_start3A_56 = arith.constant 0 : i32
      %dma_start3A_57 = tpu.memref_slice %arg6[%add3A_26, %dma_start3A_56] : memref<10016x128xf32, #tpu.memory_space<vmem_shared>> -> memref<112x128xf32, #tpu.memory_space<vmem_shared>>
      %dma_start3A_58 = arith.constant 0 : i32
      %dma_start3A_59 = arith.constant 0 : i32
      %dma_start3A_60 = tpu.memref_slice %arg7[%dma_start3A_58, %dma_start3A_59] : memref<128x128xf32, #tpu.memory_space<vmem>> -> memref<112x128xf32, #tpu.memory_space<vmem>>
      tpu.enqueue_dma source(%dma_start3A_60 : memref<112x128xf32, #tpu.memory_space<vmem>>) target(%dma_start3A_57 : memref<112x128xf32, #tpu.memory_space<vmem_shared>>) target_semaphore(%run_scoped3A : memref<!tpu.dma_semaphore, #tpu.memory_space<semaphore_mem>>)
      %dma_wait3A = arith.constant 0 : i32
      %dma_wait3A_61 = arith.constant 0 : i32
      %dma_wait3A_62 = tpu.memref_slice %arg7[%dma_wait3A, %dma_wait3A_61] : memref<128x128xf32, #tpu.memory_space<vmem>> -> memref<112x128xf32, #tpu.memory_space<vmem>>
      %dma_wait3A_63 = arith.constant 0 : i32
      %dma_wait3A_64 = tpu.memref_slice %arg6[%add3A_26, %dma_wait3A_63] : memref<10016x128xf32, #tpu.memory_space<vmem_shared>> -> memref<112x128xf32, #tpu.memory_space<vmem_shared>>
      %dma_wait3A_65 = arith.constant 0 : i32
      %dma_wait3A_66 = tpu.memref_slice %arg6[%add3A_26, %dma_wait3A_65] : memref<10016x128xf32, #tpu.memory_space<vmem_shared>> -> memref<112x128xf32, #tpu.memory_space<vmem_shared>>
      %dma_wait3A_67 = arith.constant 0 : i32
      %dma_wait3A_68 = arith.constant 0 : i32
      %dma_wait3A_69 = tpu.memref_slice %arg7[%dma_wait3A_67, %dma_wait3A_68] : memref<128x128xf32, #tpu.memory_space<vmem>> -> memref<112x128xf32, #tpu.memory_space<vmem>>
      tpu.wait_dma2 semaphore(%run_scoped3A : memref<!tpu.dma_semaphore, #tpu.memory_space<semaphore_mem>>) src(%dma_wait3A_69 : memref<112x128xf32, #tpu.memory_space<vmem>>) dst(%dma_wait3A_66 : memref<112x128xf32, #tpu.memory_space<vmem_shared>>)
      tpu.yield
    }) : () -> ()
    %eq3A = arith.constant 15 : i32
    %eq3A_27 = arith.cmpi eq, %arg1, %eq3A : i32
    %convert_element_type3A = arith.extui %eq3A_27 : i1 to i32
    %cond3A = arith.constant 0 : i32
    %cond3A_28 = arith.cmpi ne, %convert_element_type3A, %cond3A : i32
    scf.if %cond3A_28 {
      "tpu.region"() ({
        %run_scoped3A = tpu.sem_alloc : memref<!tpu.dma_semaphore, #tpu.memory_space<semaphore_mem>>
        %dma_start3A = arith.constant 0 : i32
        %dma_start3A_52 = arith.constant 0 : i32
        %dma_start3A_53 = tpu.memref_slice %arg7[%dma_start3A, %dma_start3A_52] : memref<128x128xf32, #tpu.memory_space<vmem>> -> memref<32x128xf32, #tpu.memory_space<vmem>>
        %dma_start3A_54 = arith.constant 9984 : i32
        %dma_start3A_55 = arith.constant 0 : i32
        %dma_start3A_56 = tpu.memref_slice %arg6[%dma_start3A_54, %dma_start3A_55] : memref<10016x128xf32, #tpu.memory_space<vmem_shared>> -> memref<32x128xf32, #tpu.memory_space<vmem_shared>>
        %dma_start3A_57 = arith.constant 9984 : i32
        %dma_start3A_58 = arith.constant 0 : i32
        %dma_start3A_59 = tpu.memref_slice %arg6[%dma_start3A_57, %dma_start3A_58] : memref<10016x128xf32, #tpu.memory_space<vmem_shared>> -> memref<32x128xf32, #tpu.memory_space<vmem_shared>>
        %dma_start3A_60 = arith.constant 0 : i32
        %dma_start3A_61 = arith.constant 0 : i32
        %dma_start3A_62 = tpu.memref_slice %arg7[%dma_start3A_60, %dma_start3A_61] : memref<128x128xf32, #tpu.memory_space<vmem>> -> memref<32x128xf32, #tpu.memory_space<vmem>>
        tpu.enqueue_dma source(%dma_start3A_62 : memref<32x128xf32, #tpu.memory_space<vmem>>) target(%dma_start3A_59 : memref<32x128xf32, #tpu.memory_space<vmem_shared>>) target_semaphore(%run_scoped3A : memref<!tpu.dma_semaphore, #tpu.memory_space<semaphore_mem>>)
        %dma_wait3A = arith.constant 0 : i32
        %dma_wait3A_63 = arith.constant 0 : i32
        %dma_wait3A_64 = tpu.memref_slice %arg7[%dma_wait3A, %dma_wait3A_63] : memref<128x128xf32, #tpu.memory_space<vmem>> -> memref<32x128xf32, #tpu.memory_space<vmem>>
        %dma_wait3A_65 = arith.constant 9984 : i32
        %dma_wait3A_66 = arith.constant 0 : i32
        %dma_wait3A_67 = tpu.memref_slice %arg6[%dma_wait3A_65, %dma_wait3A_66] : memref<10016x128xf32, #tpu.memory_space<vmem_shared>> -> memref<32x128xf32, #tpu.memory_space<vmem_shared>>
        %dma_wait3A_68 = arith.constant 9984 : i32
        %dma_wait3A_69 = arith.constant 0 : i32
        %dma_wait3A_70 = tpu.memref_slice %arg6[%dma_wait3A_68, %dma_wait3A_69] : memref<10016x128xf32, #tpu.memory_space<vmem_shared>> -> memref<32x128xf32, #tpu.memory_space<vmem_shared>>
        %dma_wait3A_71 = arith.constant 0 : i32
        %dma_wait3A_72 = arith.constant 0 : i32
        %dma_wait3A_73 = tpu.memref_slice %arg7[%dma_wait3A_71, %dma_wait3A_72] : memref<128x128xf32, #tpu.memory_space<vmem>> -> memref<32x128xf32, #tpu.memory_space<vmem>>
        tpu.wait_dma2 semaphore(%run_scoped3A : memref<!tpu.dma_semaphore, #tpu.memory_space<semaphore_mem>>) src(%dma_wait3A_73 : memref<32x128xf32, #tpu.memory_space<vmem>>) dst(%dma_wait3A_70 : memref<32x128xf32, #tpu.memory_space<vmem_shared>>)
        tpu.yield
      }) : () -> ()
    } else {
    }
    %barrier3A = arith.constant 0 : index
    tpu.barrier barrier_id(%barrier3A)
    %mul3A_29 = arith.constant 80 : i32
    %mul3A_30 = arith.muli %add3A, %mul3A_29 : i32
    %sub3A = arith.constant 2500 : i32
    %sub3A_31 = arith.subi %sub3A, %mul3A_30 : i32
    %jit3A = arith.constant 0 : i32
    %jit3A_32 = arith.constant 80 : i32
    %max3A = arith.maxsi %jit3A, %sub3A_31 : i32
    %min3A = arith.minsi %jit3A_32, %max3A : i32
    %while3A = arith.constant 0 : i32
    %while3A_33 = arith.constant 0 : i32
    %while3A_34 = arith.subi %min3A, %while3A : i32
    %while3A_35 = arith.addi %while3A, %while3A_34 : i32
    %while3A_36 = arith.constant 1 : i32
    %while3A_37 = arith.divsi %while3A_34, %while3A_36 : i32
    %while3A_38 = arith.muli %while3A_37, %while3A_36 : i32
    %while3A_39 = arith.addi %while3A, %while3A_38 : i32
    %while3A_40 = arith.constant 1 : i32
    %while3A_41 = scf.for %while3A_52 = %while3A to %while3A_39 step %while3A_40 iter_args(%while3A_53 = %while3A_33) -> (i32)  : i32 {
      %mul3A_54 = arith.constant 80 : i32
      %mul3A_55 = arith.muli %add3A, %mul3A_54 : i32
      %add3A_56 = arith.addi %mul3A_55, %while3A_52 : i32
      %mul3A_57 = arith.constant 128 : i32
      %mul3A_58 = arith.muli %add3A_56, %mul3A_57 : i32
      %run_scoped3A = arith.constant 0 : i32
      "tpu.region"() ({
        %run_scoped3A_74 = tpu.sem_alloc : memref<!tpu.dma_semaphore, #tpu.memory_space<semaphore_mem>>
        %dma_start3A_75 = arith.constant 0 : i32
        %dma_start3A_76 = tpu.memref_slice %arg8[%run_scoped3A, %dma_start3A_75] : memref<1x128xi32, #tpu.memory_space<vmem>> -> memref<1x128xi32, #tpu.memory_space<vmem>>
        %dma_start3A_77 = tpu.memref_squeeze %dma_start3A_76 : memref<1x128xi32, #tpu.memory_space<vmem>> -> memref<128xi32, #tpu.memory_space<vmem>>
        %dma_start3A_78 = tpu.memref_slice %arg3[%mul3A_58] : memref<327680xi32, #tpu.memory_space<hbm>> -> memref<128xi32, #tpu.memory_space<hbm>>
        %dma_start3A_79 = arith.constant 0 : i32
        %dma_start3A_80 = tpu.memref_slice %arg8[%run_scoped3A, %dma_start3A_79] : memref<1x128xi32, #tpu.memory_space<vmem>> -> memref<1x128xi32, #tpu.memory_space<vmem>>
        %dma_start3A_81 = tpu.memref_squeeze %dma_start3A_80 : memref<1x128xi32, #tpu.memory_space<vmem>> -> memref<128xi32, #tpu.memory_space<vmem>>
        %dma_start3A_82 = tpu.memref_slice %arg3[%mul3A_58] : memref<327680xi32, #tpu.memory_space<hbm>> -> memref<128xi32, #tpu.memory_space<hbm>>
        tpu.enqueue_dma source(%dma_start3A_82 : memref<128xi32, #tpu.memory_space<hbm>>) target(%dma_start3A_81 : memref<128xi32, #tpu.memory_space<vmem>>) target_semaphore(%run_scoped3A_74 : memref<!tpu.dma_semaphore, #tpu.memory_space<semaphore_mem>>)
        %dma_wait3A_83 = arith.constant 0 : i32
        %dma_wait3A_84 = tpu.memref_slice %arg8[%run_scoped3A, %dma_wait3A_83] : memref<1x128xi32, #tpu.memory_space<vmem>> -> memref<1x128xi32, #tpu.memory_space<vmem>>
        %dma_wait3A_85 = tpu.memref_squeeze %dma_wait3A_84 : memref<1x128xi32, #tpu.memory_space<vmem>> -> memref<128xi32, #tpu.memory_space<vmem>>
        %dma_wait3A_86 = tpu.memref_slice %arg3[%mul3A_58] : memref<327680xi32, #tpu.memory_space<hbm>> -> memref<128xi32, #tpu.memory_space<hbm>>
        %dma_wait3A_87 = arith.constant 0 : i32
        %dma_wait3A_88 = tpu.memref_slice %arg8[%run_scoped3A, %dma_wait3A_87] : memref<1x128xi32, #tpu.memory_space<vmem>> -> memref<1x128xi32, #tpu.memory_space<vmem>>
        %dma_wait3A_89 = tpu.memref_squeeze %dma_wait3A_88 : memref<1x128xi32, #tpu.memory_space<vmem>> -> memref<128xi32, #tpu.memory_space<vmem>>
        %dma_wait3A_90 = tpu.memref_slice %arg3[%mul3A_58] : memref<327680xi32, #tpu.memory_space<hbm>> -> memref<128xi32, #tpu.memory_space<hbm>>
        tpu.wait_dma2 semaphore(%run_scoped3A_74 : memref<!tpu.dma_semaphore, #tpu.memory_space<semaphore_mem>>) src(%dma_wait3A_90 : memref<128xi32, #tpu.memory_space<hbm>>) dst(%dma_wait3A_89 : memref<128xi32, #tpu.memory_space<vmem>>)
        tpu.yield
      }) : () -> ()
      %run_scoped3A_59 = arith.constant 0 : i32
      "tpu.region"() ({
        %run_scoped3A_74 = tpu.sem_alloc : memref<!tpu.dma_semaphore, #tpu.memory_space<semaphore_mem>>
        %dma_start3A_75 = arith.constant 0 : i32
        %dma_start3A_76 = tpu.memref_slice %arg9[%run_scoped3A_59, %dma_start3A_75] : memref<1x128xi32, #tpu.memory_space<vmem>> -> memref<1x128xi32, #tpu.memory_space<vmem>>
        %dma_start3A_77 = tpu.memref_squeeze %dma_start3A_76 : memref<1x128xi32, #tpu.memory_space<vmem>> -> memref<128xi32, #tpu.memory_space<vmem>>
        %dma_start3A_78 = tpu.memref_slice %arg4[%mul3A_58] : memref<327680xi32, #tpu.memory_space<hbm>> -> memref<128xi32, #tpu.memory_space<hbm>>
        %dma_start3A_79 = arith.constant 0 : i32
        %dma_start3A_80 = tpu.memref_slice %arg9[%run_scoped3A_59, %dma_start3A_79] : memref<1x128xi32, #tpu.memory_space<vmem>> -> memref<1x128xi32, #tpu.memory_space<vmem>>
        %dma_start3A_81 = tpu.memref_squeeze %dma_start3A_80 : memref<1x128xi32, #tpu.memory_space<vmem>> -> memref<128xi32, #tpu.memory_space<vmem>>
        %dma_start3A_82 = tpu.memref_slice %arg4[%mul3A_58] : memref<327680xi32, #tpu.memory_space<hbm>> -> memref<128xi32, #tpu.memory_space<hbm>>
        tpu.enqueue_dma source(%dma_start3A_82 : memref<128xi32, #tpu.memory_space<hbm>>) target(%dma_start3A_81 : memref<128xi32, #tpu.memory_space<vmem>>) target_semaphore(%run_scoped3A_74 : memref<!tpu.dma_semaphore, #tpu.memory_space<semaphore_mem>>)
        %dma_wait3A_83 = arith.constant 0 : i32
        %dma_wait3A_84 = tpu.memref_slice %arg9[%run_scoped3A_59, %dma_wait3A_83] : memref<1x128xi32, #tpu.memory_space<vmem>> -> memref<1x128xi32, #tpu.memory_space<vmem>>
        %dma_wait3A_85 = tpu.memref_squeeze %dma_wait3A_84 : memref<1x128xi32, #tpu.memory_space<vmem>> -> memref<128xi32, #tpu.memory_space<vmem>>
        %dma_wait3A_86 = tpu.memref_slice %arg4[%mul3A_58] : memref<327680xi32, #tpu.memory_space<hbm>> -> memref<128xi32, #tpu.memory_space<hbm>>
        %dma_wait3A_87 = arith.constant 0 : i32
        %dma_wait3A_88 = tpu.memref_slice %arg9[%run_scoped3A_59, %dma_wait3A_87] : memref<1x128xi32, #tpu.memory_space<vmem>> -> memref<1x128xi32, #tpu.memory_space<vmem>>
        %dma_wait3A_89 = tpu.memref_squeeze %dma_wait3A_88 : memref<1x128xi32, #tpu.memory_space<vmem>> -> memref<128xi32, #tpu.memory_space<vmem>>
        %dma_wait3A_90 = tpu.memref_slice %arg4[%mul3A_58] : memref<327680xi32, #tpu.memory_space<hbm>> -> memref<128xi32, #tpu.memory_space<hbm>>
        tpu.wait_dma2 semaphore(%run_scoped3A_74 : memref<!tpu.dma_semaphore, #tpu.memory_space<semaphore_mem>>) src(%dma_wait3A_90 : memref<128xi32, #tpu.memory_space<hbm>>) dst(%dma_wait3A_89 : memref<128xi32, #tpu.memory_space<vmem>>)
        tpu.yield
      }) : () -> ()
      %dma_start3A = arith.constant 0 : i32
      %dma_start3A_60 = arith.constant 0 : i32
      %dma_start3A_61 = tpu.memref_slice %arg8[%dma_start3A, %dma_start3A_60] : memref<1x128xi32, #tpu.memory_space<vmem>> -> memref<1x128xi32, #tpu.memory_space<vmem>>
      %dma_start3A_62 = tpu.memref_squeeze %dma_start3A_61 : memref<1x128xi32, #tpu.memory_space<vmem>> -> memref<128xi32, #tpu.memory_space<vmem>>
      %dma_start3A_63 = arith.constant 0 : i32
      %dma_start3A_64 = arith.constant 0 : i32
      %dma_start3A_65 = tpu.memref_slice %arg2[%dma_start3A_63, %dma_start3A_64] : memref<10000x128xf32, #tpu.memory_space<hbm>> -> memref<10000x128xf32, #tpu.memory_space<hbm>>
      tpu.enqueue_indirect_dma source(%dma_start3A_65 : memref<10000x128xf32, #tpu.memory_space<hbm>>) target(%arg7 : memref<128x128xf32, #tpu.memory_space<vmem>>) offsets(%dma_start3A_62 : memref<128xi32, #tpu.memory_space<vmem>>) semaphore(%arg10 : memref<!tpu.dma_semaphore, #tpu.memory_space<semaphore_mem>>)
      %dma_wait3A = arith.constant 0 : i32
      %dma_wait3A_66 = arith.constant 0 : i32
      %dma_wait3A_67 = tpu.memref_slice %arg8[%dma_wait3A, %dma_wait3A_66] : memref<1x128xi32, #tpu.memory_space<vmem>> -> memref<1x128xi32, #tpu.memory_space<vmem>>
      %dma_wait3A_68 = tpu.memref_squeeze %dma_wait3A_67 : memref<1x128xi32, #tpu.memory_space<vmem>> -> memref<128xi32, #tpu.memory_space<vmem>>
      %dma_wait3A_69 = arith.constant 0 : i32
      %dma_wait3A_70 = arith.constant 0 : i32
      %dma_wait3A_71 = tpu.memref_slice %arg2[%dma_wait3A_69, %dma_wait3A_70] : memref<10000x128xf32, #tpu.memory_space<hbm>> -> memref<10000x128xf32, #tpu.memory_space<hbm>>
      tpu.wait_indirect_dma semaphore(%arg10 : memref<!tpu.dma_semaphore, #tpu.memory_space<semaphore_mem>>) src(%dma_wait3A_71 : memref<10000x128xf32, #tpu.memory_space<hbm>>) dst(%arg7 : memref<128x128xf32, #tpu.memory_space<vmem>>)
      %run_scoped3A_72 = arith.constant 0 : i32
      "tpu.region"() ({
        %run_scoped3A_74 = tpu.sem_alloc : memref<!tpu.dma_semaphore, #tpu.memory_space<semaphore_mem>>
        %dma_start3A_75 = arith.constant 0 : i32
        %dma_start3A_76 = tpu.memref_slice %arg9[%run_scoped3A_72, %dma_start3A_75] : memref<1x128xi32, #tpu.memory_space<vmem>> -> memref<1x128xi32, #tpu.memory_space<vmem>>
        %dma_start3A_77 = tpu.memref_squeeze %dma_start3A_76 : memref<1x128xi32, #tpu.memory_space<vmem>> -> memref<128xi32, #tpu.memory_space<vmem>>
        %dma_start3A_78 = arith.constant 0 : i32
        %dma_start3A_79 = arith.constant 0 : i32
        %dma_start3A_80 = tpu.memref_slice %arg6[%dma_start3A_78, %dma_start3A_79] : memref<10016x128xf32, #tpu.memory_space<vmem_shared>> -> memref<10016x128xf32, #tpu.memory_space<vmem_shared>>
        tpu.enqueue_indirect_dma source(%arg7 : memref<128x128xf32, #tpu.memory_space<vmem>>) target(%dma_start3A_80 : memref<10016x128xf32, #tpu.memory_space<vmem_shared>>) offsets(%dma_start3A_77 : memref<128xi32, #tpu.memory_space<vmem>>) semaphore(%run_scoped3A_74 : memref<!tpu.dma_semaphore, #tpu.memory_space<semaphore_mem>>) {add = true}
        %dma_wait3A_81 = arith.constant 0 : i32
        %dma_wait3A_82 = tpu.memref_slice %arg9[%run_scoped3A_72, %dma_wait3A_81] : memref<1x128xi32, #tpu.memory_space<vmem>> -> memref<1x128xi32, #tpu.memory_space<vmem>>
        %dma_wait3A_83 = tpu.memref_squeeze %dma_wait3A_82 : memref<1x128xi32, #tpu.memory_space<vmem>> -> memref<128xi32, #tpu.memory_space<vmem>>
        %dma_wait3A_84 = arith.constant 0 : i32
        %dma_wait3A_85 = arith.constant 0 : i32
        %dma_wait3A_86 = tpu.memref_slice %arg6[%dma_wait3A_84, %dma_wait3A_85] : memref<10016x128xf32, #tpu.memory_space<vmem_shared>> -> memref<10016x128xf32, #tpu.memory_space<vmem_shared>>
        tpu.wait_indirect_dma semaphore(%run_scoped3A_74 : memref<!tpu.dma_semaphore, #tpu.memory_space<semaphore_mem>>) src(%arg7 : memref<128x128xf32, #tpu.memory_space<vmem>>) dst(%dma_wait3A_86 : memref<10016x128xf32, #tpu.memory_space<vmem_shared>>)
        tpu.yield
      }) : () -> ()
      %while3A_73 = arith.constant 0 : i32
      scf.yield %while3A_73 : i32
    }
    %while3A_42 = arith.constant 1 : i32
    %while3A_43 = scf.for %while3A_52 = %while3A_39 to %while3A_35 step %while3A_42 iter_args(%while3A_53 = %while3A_41) -> (i32)  : i32 {
      %mul3A_54 = arith.constant 80 : i32
      %mul3A_55 = arith.muli %add3A, %mul3A_54 : i32
      %add3A_56 = arith.addi %mul3A_55, %while3A_52 : i32
      %mul3A_57 = arith.constant 128 : i32
      %mul3A_58 = arith.muli %add3A_56, %mul3A_57 : i32
      %run_scoped3A = arith.constant 0 : i32
      "tpu.region"() ({
        %run_scoped3A_74 = tpu.sem_alloc : memref<!tpu.dma_semaphore, #tpu.memory_space<semaphore_mem>>
        %dma_start3A_75 = arith.constant 0 : i32
        %dma_start3A_76 = tpu.memref_slice %arg8[%run_scoped3A, %dma_start3A_75] : memref<1x128xi32, #tpu.memory_space<vmem>> -> memref<1x128xi32, #tpu.memory_space<vmem>>
        %dma_start3A_77 = tpu.memref_squeeze %dma_start3A_76 : memref<1x128xi32, #tpu.memory_space<vmem>> -> memref<128xi32, #tpu.memory_space<vmem>>
        %dma_start3A_78 = tpu.memref_slice %arg3[%mul3A_58] : memref<327680xi32, #tpu.memory_space<hbm>> -> memref<128xi32, #tpu.memory_space<hbm>>
        %dma_start3A_79 = arith.constant 0 : i32
        %dma_start3A_80 = tpu.memref_slice %arg8[%run_scoped3A, %dma_start3A_79] : memref<1x128xi32, #tpu.memory_space<vmem>> -> memref<1x128xi32, #tpu.memory_space<vmem>>
        %dma_start3A_81 = tpu.memref_squeeze %dma_start3A_80 : memref<1x128xi32, #tpu.memory_space<vmem>> -> memref<128xi32, #tpu.memory_space<vmem>>
        %dma_start3A_82 = tpu.memref_slice %arg3[%mul3A_58] : memref<327680xi32, #tpu.memory_space<hbm>> -> memref<128xi32, #tpu.memory_space<hbm>>
        tpu.enqueue_dma source(%dma_start3A_82 : memref<128xi32, #tpu.memory_space<hbm>>) target(%dma_start3A_81 : memref<128xi32, #tpu.memory_space<vmem>>) target_semaphore(%run_scoped3A_74 : memref<!tpu.dma_semaphore, #tpu.memory_space<semaphore_mem>>)
        %dma_wait3A_83 = arith.constant 0 : i32
        %dma_wait3A_84 = tpu.memref_slice %arg8[%run_scoped3A, %dma_wait3A_83] : memref<1x128xi32, #tpu.memory_space<vmem>> -> memref<1x128xi32, #tpu.memory_space<vmem>>
        %dma_wait3A_85 = tpu.memref_squeeze %dma_wait3A_84 : memref<1x128xi32, #tpu.memory_space<vmem>> -> memref<128xi32, #tpu.memory_space<vmem>>
        %dma_wait3A_86 = tpu.memref_slice %arg3[%mul3A_58] : memref<327680xi32, #tpu.memory_space<hbm>> -> memref<128xi32, #tpu.memory_space<hbm>>
        %dma_wait3A_87 = arith.constant 0 : i32
        %dma_wait3A_88 = tpu.memref_slice %arg8[%run_scoped3A, %dma_wait3A_87] : memref<1x128xi32, #tpu.memory_space<vmem>> -> memref<1x128xi32, #tpu.memory_space<vmem>>
        %dma_wait3A_89 = tpu.memref_squeeze %dma_wait3A_88 : memref<1x128xi32, #tpu.memory_space<vmem>> -> memref<128xi32, #tpu.memory_space<vmem>>
        %dma_wait3A_90 = tpu.memref_slice %arg3[%mul3A_58] : memref<327680xi32, #tpu.memory_space<hbm>> -> memref<128xi32, #tpu.memory_space<hbm>>
        tpu.wait_dma2 semaphore(%run_scoped3A_74 : memref<!tpu.dma_semaphore, #tpu.memory_space<semaphore_mem>>) src(%dma_wait3A_90 : memref<128xi32, #tpu.memory_space<hbm>>) dst(%dma_wait3A_89 : memref<128xi32, #tpu.memory_space<vmem>>)
        tpu.yield
      }) : () -> ()
      %run_scoped3A_59 = arith.constant 0 : i32
      "tpu.region"() ({
        %run_scoped3A_74 = tpu.sem_alloc : memref<!tpu.dma_semaphore, #tpu.memory_space<semaphore_mem>>
        %dma_start3A_75 = arith.constant 0 : i32
        %dma_start3A_76 = tpu.memref_slice %arg9[%run_scoped3A_59, %dma_start3A_75] : memref<1x128xi32, #tpu.memory_space<vmem>> -> memref<1x128xi32, #tpu.memory_space<vmem>>
        %dma_start3A_77 = tpu.memref_squeeze %dma_start3A_76 : memref<1x128xi32, #tpu.memory_space<vmem>> -> memref<128xi32, #tpu.memory_space<vmem>>
        %dma_start3A_78 = tpu.memref_slice %arg4[%mul3A_58] : memref<327680xi32, #tpu.memory_space<hbm>> -> memref<128xi32, #tpu.memory_space<hbm>>
        %dma_start3A_79 = arith.constant 0 : i32
        %dma_start3A_80 = tpu.memref_slice %arg9[%run_scoped3A_59, %dma_start3A_79] : memref<1x128xi32, #tpu.memory_space<vmem>> -> memref<1x128xi32, #tpu.memory_space<vmem>>
        %dma_start3A_81 = tpu.memref_squeeze %dma_start3A_80 : memref<1x128xi32, #tpu.memory_space<vmem>> -> memref<128xi32, #tpu.memory_space<vmem>>
        %dma_start3A_82 = tpu.memref_slice %arg4[%mul3A_58] : memref<327680xi32, #tpu.memory_space<hbm>> -> memref<128xi32, #tpu.memory_space<hbm>>
        tpu.enqueue_dma source(%dma_start3A_82 : memref<128xi32, #tpu.memory_space<hbm>>) target(%dma_start3A_81 : memref<128xi32, #tpu.memory_space<vmem>>) target_semaphore(%run_scoped3A_74 : memref<!tpu.dma_semaphore, #tpu.memory_space<semaphore_mem>>)
        %dma_wait3A_83 = arith.constant 0 : i32
        %dma_wait3A_84 = tpu.memref_slice %arg9[%run_scoped3A_59, %dma_wait3A_83] : memref<1x128xi32, #tpu.memory_space<vmem>> -> memref<1x128xi32, #tpu.memory_space<vmem>>
        %dma_wait3A_85 = tpu.memref_squeeze %dma_wait3A_84 : memref<1x128xi32, #tpu.memory_space<vmem>> -> memref<128xi32, #tpu.memory_space<vmem>>
        %dma_wait3A_86 = tpu.memref_slice %arg4[%mul3A_58] : memref<327680xi32, #tpu.memory_space<hbm>> -> memref<128xi32, #tpu.memory_space<hbm>>
        %dma_wait3A_87 = arith.constant 0 : i32
        %dma_wait3A_88 = tpu.memref_slice %arg9[%run_scoped3A_59, %dma_wait3A_87] : memref<1x128xi32, #tpu.memory_space<vmem>> -> memref<1x128xi32, #tpu.memory_space<vmem>>
        %dma_wait3A_89 = tpu.memref_squeeze %dma_wait3A_88 : memref<1x128xi32, #tpu.memory_space<vmem>> -> memref<128xi32, #tpu.memory_space<vmem>>
        %dma_wait3A_90 = tpu.memref_slice %arg4[%mul3A_58] : memref<327680xi32, #tpu.memory_space<hbm>> -> memref<128xi32, #tpu.memory_space<hbm>>
        tpu.wait_dma2 semaphore(%run_scoped3A_74 : memref<!tpu.dma_semaphore, #tpu.memory_space<semaphore_mem>>) src(%dma_wait3A_90 : memref<128xi32, #tpu.memory_space<hbm>>) dst(%dma_wait3A_89 : memref<128xi32, #tpu.memory_space<vmem>>)
        tpu.yield
      }) : () -> ()
      %dma_start3A = arith.constant 0 : i32
      %dma_start3A_60 = arith.constant 0 : i32
      %dma_start3A_61 = tpu.memref_slice %arg8[%dma_start3A, %dma_start3A_60] : memref<1x128xi32, #tpu.memory_space<vmem>> -> memref<1x128xi32, #tpu.memory_space<vmem>>
      %dma_start3A_62 = tpu.memref_squeeze %dma_start3A_61 : memref<1x128xi32, #tpu.memory_space<vmem>> -> memref<128xi32, #tpu.memory_space<vmem>>
      %dma_start3A_63 = arith.constant 0 : i32
      %dma_start3A_64 = arith.constant 0 : i32
      %dma_start3A_65 = tpu.memref_slice %arg2[%dma_start3A_63, %dma_start3A_64] : memref<10000x128xf32, #tpu.memory_space<hbm>> -> memref<10000x128xf32, #tpu.memory_space<hbm>>
      tpu.enqueue_indirect_dma source(%dma_start3A_65 : memref<10000x128xf32, #tpu.memory_space<hbm>>) target(%arg7 : memref<128x128xf32, #tpu.memory_space<vmem>>) offsets(%dma_start3A_62 : memref<128xi32, #tpu.memory_space<vmem>>) semaphore(%arg10 : memref<!tpu.dma_semaphore, #tpu.memory_space<semaphore_mem>>)
      %dma_wait3A = arith.constant 0 : i32
      %dma_wait3A_66 = arith.constant 0 : i32
      %dma_wait3A_67 = tpu.memref_slice %arg8[%dma_wait3A, %dma_wait3A_66] : memref<1x128xi32, #tpu.memory_space<vmem>> -> memref<1x128xi32, #tpu.memory_space<vmem>>
      %dma_wait3A_68 = tpu.memref_squeeze %dma_wait3A_67 : memref<1x128xi32, #tpu.memory_space<vmem>> -> memref<128xi32, #tpu.memory_space<vmem>>
      %dma_wait3A_69 = arith.constant 0 : i32
      %dma_wait3A_70 = arith.constant 0 : i32
      %dma_wait3A_71 = tpu.memref_slice %arg2[%dma_wait3A_69, %dma_wait3A_70] : memref<10000x128xf32, #tpu.memory_space<hbm>> -> memref<10000x128xf32, #tpu.memory_space<hbm>>
      tpu.wait_indirect_dma semaphore(%arg10 : memref<!tpu.dma_semaphore, #tpu.memory_space<semaphore_mem>>) src(%dma_wait3A_71 : memref<10000x128xf32, #tpu.memory_space<hbm>>) dst(%arg7 : memref<128x128xf32, #tpu.memory_space<vmem>>)
      %run_scoped3A_72 = arith.constant 0 : i32
      "tpu.region"() ({
        %run_scoped3A_74 = tpu.sem_alloc : memref<!tpu.dma_semaphore, #tpu.memory_space<semaphore_mem>>
        %dma_start3A_75 = arith.constant 0 : i32
        %dma_start3A_76 = tpu.memref_slice %arg9[%run_scoped3A_72, %dma_start3A_75] : memref<1x128xi32, #tpu.memory_space<vmem>> -> memref<1x128xi32, #tpu.memory_space<vmem>>
        %dma_start3A_77 = tpu.memref_squeeze %dma_start3A_76 : memref<1x128xi32, #tpu.memory_space<vmem>> -> memref<128xi32, #tpu.memory_space<vmem>>
        %dma_start3A_78 = arith.constant 0 : i32
        %dma_start3A_79 = arith.constant 0 : i32
        %dma_start3A_80 = tpu.memref_slice %arg6[%dma_start3A_78, %dma_start3A_79] : memref<10016x128xf32, #tpu.memory_space<vmem_shared>> -> memref<10016x128xf32, #tpu.memory_space<vmem_shared>>
        tpu.enqueue_indirect_dma source(%arg7 : memref<128x128xf32, #tpu.memory_space<vmem>>) target(%dma_start3A_80 : memref<10016x128xf32, #tpu.memory_space<vmem_shared>>) offsets(%dma_start3A_77 : memref<128xi32, #tpu.memory_space<vmem>>) semaphore(%run_scoped3A_74 : memref<!tpu.dma_semaphore, #tpu.memory_space<semaphore_mem>>) {add = true}
        %dma_wait3A_81 = arith.constant 0 : i32
        %dma_wait3A_82 = tpu.memref_slice %arg9[%run_scoped3A_72, %dma_wait3A_81] : memref<1x128xi32, #tpu.memory_space<vmem>> -> memref<1x128xi32, #tpu.memory_space<vmem>>
        %dma_wait3A_83 = tpu.memref_squeeze %dma_wait3A_82 : memref<1x128xi32, #tpu.memory_space<vmem>> -> memref<128xi32, #tpu.memory_space<vmem>>
        %dma_wait3A_84 = arith.constant 0 : i32
        %dma_wait3A_85 = arith.constant 0 : i32
        %dma_wait3A_86 = tpu.memref_slice %arg6[%dma_wait3A_84, %dma_wait3A_85] : memref<10016x128xf32, #tpu.memory_space<vmem_shared>> -> memref<10016x128xf32, #tpu.memory_space<vmem_shared>>
        tpu.wait_indirect_dma semaphore(%run_scoped3A_74 : memref<!tpu.dma_semaphore, #tpu.memory_space<semaphore_mem>>) src(%arg7 : memref<128x128xf32, #tpu.memory_space<vmem>>) dst(%dma_wait3A_86 : memref<10016x128xf32, #tpu.memory_space<vmem_shared>>)
        tpu.yield
      }) : () -> ()
      %while3A_73 = arith.constant 0 : i32
      scf.yield %while3A_73 : i32
    }
    %barrier3A_44 = arith.constant 0 : index
    tpu.barrier barrier_id(%barrier3A_44)
    %mul3A_45 = arith.constant 624 : i32
    %mul3A_46 = arith.muli %arg1, %mul3A_45 : i32
    "tpu.region"() ({
      %run_scoped3A = tpu.sem_alloc : memref<!tpu.dma_semaphore, #tpu.memory_space<semaphore_mem>>
      %dma_start3A = arith.constant 0 : i32
      %dma_start3A_52 = tpu.memref_slice %arg5[%arg0, %mul3A_46, %dma_start3A] : memref<2x10000x128xf32, #tpu.memory_space<hbm>> -> memref<1x624x128xf32, #tpu.memory_space<hbm>>
      %dma_start3A_53 = tpu.memref_squeeze %dma_start3A_52 : memref<1x624x128xf32, #tpu.memory_space<hbm>> -> memref<624x128xf32, #tpu.memory_space<hbm>>
      %dma_start3A_54 = arith.constant 0 : i32
      %dma_start3A_55 = tpu.memref_slice %arg6[%mul3A_46, %dma_start3A_54] : memref<10016x128xf32, #tpu.memory_space<vmem_shared>> -> memref<624x128xf32, #tpu.memory_space<vmem_shared>>
      tpu.enqueue_dma source(%dma_start3A_55 : memref<624x128xf32, #tpu.memory_space<vmem_shared>>) target(%dma_start3A_53 : memref<624x128xf32, #tpu.memory_space<hbm>>) target_semaphore(%run_scoped3A : memref<!tpu.dma_semaphore, #tpu.memory_space<semaphore_mem>>)
      %dma_wait3A = arith.constant 0 : i32
      %dma_wait3A_56 = tpu.memref_slice %arg5[%arg0, %mul3A_46, %dma_wait3A] : memref<2x10000x128xf32, #tpu.memory_space<hbm>> -> memref<1x624x128xf32, #tpu.memory_space<hbm>>
      %dma_wait3A_57 = tpu.memref_squeeze %dma_wait3A_56 : memref<1x624x128xf32, #tpu.memory_space<hbm>> -> memref<624x128xf32, #tpu.memory_space<hbm>>
      %dma_wait3A_58 = arith.constant 0 : i32
      %dma_wait3A_59 = tpu.memref_slice %arg6[%mul3A_46, %dma_wait3A_58] : memref<10016x128xf32, #tpu.memory_space<vmem_shared>> -> memref<624x128xf32, #tpu.memory_space<vmem_shared>>
      tpu.wait_dma2 semaphore(%run_scoped3A : memref<!tpu.dma_semaphore, #tpu.memory_space<semaphore_mem>>) src(%dma_wait3A_59 : memref<624x128xf32, #tpu.memory_space<vmem_shared>>) dst(%dma_wait3A_57 : memref<624x128xf32, #tpu.memory_space<hbm>>)
      tpu.yield
    }) : () -> ()
    %eq3A_47 = arith.constant 15 : i32
    %eq3A_48 = arith.cmpi eq, %arg1, %eq3A_47 : i32
    %convert_element_type3A_49 = arith.extui %eq3A_48 : i1 to i32
    %cond3A_50 = arith.constant 0 : i32
    %cond3A_51 = arith.cmpi ne, %convert_element_type3A_49, %cond3A_50 : i32
    scf.if %cond3A_51 {
      "tpu.region"() ({
        %run_scoped3A = tpu.sem_alloc : memref<!tpu.dma_semaphore, #tpu.memory_space<semaphore_mem>>
        %dma_start3A = arith.constant 9984 : i32
        %dma_start3A_52 = arith.constant 0 : i32
        %dma_start3A_53 = tpu.memref_slice %arg5[%arg0, %dma_start3A, %dma_start3A_52] : memref<2x10000x128xf32, #tpu.memory_space<hbm>> -> memref<1x16x128xf32, #tpu.memory_space<hbm>>
        %dma_start3A_54 = tpu.memref_squeeze %dma_start3A_53 : memref<1x16x128xf32, #tpu.memory_space<hbm>> -> memref<16x128xf32, #tpu.memory_space<hbm>>
        %dma_start3A_55 = arith.constant 9984 : i32
        %dma_start3A_56 = arith.constant 0 : i32
        %dma_start3A_57 = tpu.memref_slice %arg6[%dma_start3A_55, %dma_start3A_56] : memref<10016x128xf32, #tpu.memory_space<vmem_shared>> -> memref<16x128xf32, #tpu.memory_space<vmem_shared>>
        tpu.enqueue_dma source(%dma_start3A_57 : memref<16x128xf32, #tpu.memory_space<vmem_shared>>) target(%dma_start3A_54 : memref<16x128xf32, #tpu.memory_space<hbm>>) target_semaphore(%run_scoped3A : memref<!tpu.dma_semaphore, #tpu.memory_space<semaphore_mem>>)
        %dma_wait3A = arith.constant 9984 : i32
        %dma_wait3A_58 = arith.constant 0 : i32
        %dma_wait3A_59 = tpu.memref_slice %arg5[%arg0, %dma_wait3A, %dma_wait3A_58] : memref<2x10000x128xf32, #tpu.memory_space<hbm>> -> memref<1x16x128xf32, #tpu.memory_space<hbm>>
        %dma_wait3A_60 = tpu.memref_squeeze %dma_wait3A_59 : memref<1x16x128xf32, #tpu.memory_space<hbm>> -> memref<16x128xf32, #tpu.memory_space<hbm>>
        %dma_wait3A_61 = arith.constant 9984 : i32
        %dma_wait3A_62 = arith.constant 0 : i32
        %dma_wait3A_63 = tpu.memref_slice %arg6[%dma_wait3A_61, %dma_wait3A_62] : memref<10016x128xf32, #tpu.memory_space<vmem_shared>> -> memref<16x128xf32, #tpu.memory_space<vmem_shared>>
        tpu.wait_dma2 semaphore(%run_scoped3A : memref<!tpu.dma_semaphore, #tpu.memory_space<semaphore_mem>>) src(%dma_wait3A_63 : memref<16x128xf32, #tpu.memory_space<vmem_shared>>) dst(%dma_wait3A_60 : memref<16x128xf32, #tpu.memory_space<hbm>>)
        tpu.yield
      }) : () -> ()
    } else {
    }
    return
  }
}

#map = affine_map<(d0, d1) -> (0, 0)>
#map1 = affine_map<(d0, d1) -> (0, 0, 0)>
module attributes {stable_mosaic.version = 14 : i64} {
  func.func @_degree_body(%arg0: i32, %arg1: i32, %arg2: memref<2560x128xi32, #tpu.memory_space<hbm>>, %arg3: memref<2x10000x16xf32, #tpu.memory_space<hbm>>, %arg4: memref<10016x16xf32, #tpu.memory_space<vmem_shared>>, %arg5: memref<624x16xf32, #tpu.memory_space<vmem>>, %arg6: memref<128x16xf32, #tpu.memory_space<vmem>>, %arg7: memref<80x128xi32, #tpu.memory_space<vmem>>) attributes {dimension_semantics = [#tpu.dimension_semantics<core_parallel>, #tpu.dimension_semantics<subcore_parallel>], iteration_bounds = array<i64: 2, 16>, scalar_prefetch = 0 : i64, scratch_operands = 4 : i64, tpu.core_type = #tpu.core_type<sc_vector_subcore>, window_params = [{transform_indices = #map}, {transform_indices = #map1}]} {
    %mul3A = arith.constant 2 : i32
    %mul3A_0 = arith.muli %arg1, %mul3A : i32
    %add3A = arith.addi %mul3A_0, %arg0 : i32
    %scan3A = arith.constant 0 : i32
    %scan3A_1 = arith.constant 0 : i32
    %scan3A_2 = arith.constant 624 : i32
    %scan3A_3 = arith.addi %scan3A_1, %scan3A_2 : i32
    %scan3A_4 = arith.constant 1 : i32
    %scan3A_5 = scf.for %scan3A_35 = %scan3A_1 to %scan3A_3 step %scan3A_4 iter_args(%scan3A_36 = %scan3A) -> (i32)  : i32 {
      %broadcast_in_dim3A = arith.constant 0.000000e+00 : f32
      %broadcast_in_dim3A_37 = vector.broadcast %broadcast_in_dim3A : f32 to vector<16xf32>
      %swap3A = arith.index_cast %scan3A_35 : i32 to index
      %swap3A_38 = arith.constant 0 : index
      %swap3A_39 = tpu.vector_load %arg5[%swap3A, %swap3A_38] {strides = array<i32>} : memref<624x16xf32, #tpu.memory_space<vmem>>, vector<1x16xf32>,
      %swap3A_40 = vector.shape_cast %swap3A_39 : vector<1x16xf32> to vector<16xf32>
      %swap3A_41 = vector.shape_cast %broadcast_in_dim3A_37 : vector<16xf32> to vector<1x16xf32>
      tpu.vector_store %arg5[%swap3A, %swap3A_38], %swap3A_41 {strides = array<i32>} : memref<624x16xf32, #tpu.memory_space<vmem>>, vector<1x16xf32>,
      %scan3A_42 = arith.constant 0 : i32
      scf.yield %scan3A_42 : i32
    }
    %scan3A_6 = arith.constant 624 : i32
    %scan3A_7 = arith.constant 0 : i32
    %scan3A_8 = arith.constant 0 : i32
    %scan3A_9 = arith.constant 128 : i32
    %scan3A_10 = arith.addi %scan3A_8, %scan3A_9 : i32
    %scan3A_11 = arith.constant 1 : i32
    %scan3A_12 = scf.for %scan3A_35 = %scan3A_8 to %scan3A_10 step %scan3A_11 iter_args(%scan3A_36 = %scan3A_7) -> (i32)  : i32 {
      %broadcast_in_dim3A = arith.constant 1.000000e+00 : f32
      %broadcast_in_dim3A_37 = vector.broadcast %broadcast_in_dim3A : f32 to vector<16xf32>
      %swap3A = arith.index_cast %scan3A_35 : i32 to index
      %swap3A_38 = arith.constant 0 : index
      %swap3A_39 = tpu.vector_load %arg6[%swap3A, %swap3A_38] {strides = array<i32>} : memref<128x16xf32, #tpu.memory_space<vmem>>, vector<1x16xf32>,
      %swap3A_40 = vector.shape_cast %swap3A_39 : vector<1x16xf32> to vector<16xf32>
      %swap3A_41 = vector.shape_cast %broadcast_in_dim3A_37 : vector<16xf32> to vector<1x16xf32>
      tpu.vector_store %arg6[%swap3A, %swap3A_38], %swap3A_41 {strides = array<i32>} : memref<128x16xf32, #tpu.memory_space<vmem>>, vector<1x16xf32>,
      %scan3A_42 = arith.constant 0 : i32
      scf.yield %scan3A_42 : i32
    }
    %scan3A_13 = arith.constant 128 : i32
    %mul3A_14 = arith.constant 624 : i32
    %mul3A_15 = arith.muli %arg1, %mul3A_14 : i32
    "tpu.region"() ({
      %run_scoped3A = tpu.sem_alloc : memref<!tpu.dma_semaphore, #tpu.memory_space<semaphore_mem>>
      %dma_start3A = arith.constant 0 : i32
      %dma_start3A_35 = tpu.memref_slice %arg4[%mul3A_15, %dma_start3A] : memref<10016x16xf32, #tpu.memory_space<vmem_shared>> -> memref<624x16xf32, #tpu.memory_space<vmem_shared>>
      %dma_start3A_36 = arith.constant 0 : i32
      %dma_start3A_37 = tpu.memref_slice %arg4[%mul3A_15, %dma_start3A_36] : memref<10016x16xf32, #tpu.memory_space<vmem_shared>> -> memref<624x16xf32, #tpu.memory_space<vmem_shared>>
      tpu.enqueue_dma source(%arg5 : memref<624x16xf32, #tpu.memory_space<vmem>>) target(%dma_start3A_37 : memref<624x16xf32, #tpu.memory_space<vmem_shared>>) target_semaphore(%run_scoped3A : memref<!tpu.dma_semaphore, #tpu.memory_space<semaphore_mem>>)
      %dma_wait3A = arith.constant 0 : i32
      %dma_wait3A_38 = tpu.memref_slice %arg4[%mul3A_15, %dma_wait3A] : memref<10016x16xf32, #tpu.memory_space<vmem_shared>> -> memref<624x16xf32, #tpu.memory_space<vmem_shared>>
      %dma_wait3A_39 = arith.constant 0 : i32
      %dma_wait3A_40 = tpu.memref_slice %arg4[%mul3A_15, %dma_wait3A_39] : memref<10016x16xf32, #tpu.memory_space<vmem_shared>> -> memref<624x16xf32, #tpu.memory_space<vmem_shared>>
      tpu.wait_dma2 semaphore(%run_scoped3A : memref<!tpu.dma_semaphore, #tpu.memory_space<semaphore_mem>>) src(%arg5 : memref<624x16xf32, #tpu.memory_space<vmem>>) dst(%dma_wait3A_40 : memref<624x16xf32, #tpu.memory_space<vmem_shared>>)
      tpu.yield
    }) : () -> ()
    %eq3A = arith.constant 15 : i32
    %eq3A_16 = arith.cmpi eq, %arg1, %eq3A : i32
    %convert_element_type3A = arith.extui %eq3A_16 : i1 to i32
    %cond3A = arith.constant 0 : i32
    %cond3A_17 = arith.cmpi ne, %convert_element_type3A, %cond3A : i32
    scf.if %cond3A_17 {
      "tpu.region"() ({
        %run_scoped3A = tpu.sem_alloc : memref<!tpu.dma_semaphore, #tpu.memory_space<semaphore_mem>>
        %dma_start3A = arith.constant 0 : i32
        %dma_start3A_35 = arith.constant 0 : i32
        %dma_start3A_36 = tpu.memref_slice %arg5[%dma_start3A, %dma_start3A_35] : memref<624x16xf32, #tpu.memory_space<vmem>> -> memref<32x16xf32, #tpu.memory_space<vmem>>
        %dma_start3A_37 = arith.constant 9984 : i32
        %dma_start3A_38 = arith.constant 0 : i32
        %dma_start3A_39 = tpu.memref_slice %arg4[%dma_start3A_37, %dma_start3A_38] : memref<10016x16xf32, #tpu.memory_space<vmem_shared>> -> memref<32x16xf32, #tpu.memory_space<vmem_shared>>
        %dma_start3A_40 = arith.constant 9984 : i32
        %dma_start3A_41 = arith.constant 0 : i32
        %dma_start3A_42 = tpu.memref_slice %arg4[%dma_start3A_40, %dma_start3A_41] : memref<10016x16xf32, #tpu.memory_space<vmem_shared>> -> memref<32x16xf32, #tpu.memory_space<vmem_shared>>
        %dma_start3A_43 = arith.constant 0 : i32
        %dma_start3A_44 = arith.constant 0 : i32
        %dma_start3A_45 = tpu.memref_slice %arg5[%dma_start3A_43, %dma_start3A_44] : memref<624x16xf32, #tpu.memory_space<vmem>> -> memref<32x16xf32, #tpu.memory_space<vmem>>
        tpu.enqueue_dma source(%dma_start3A_45 : memref<32x16xf32, #tpu.memory_space<vmem>>) target(%dma_start3A_42 : memref<32x16xf32, #tpu.memory_space<vmem_shared>>) target_semaphore(%run_scoped3A : memref<!tpu.dma_semaphore, #tpu.memory_space<semaphore_mem>>)
        %dma_wait3A = arith.constant 0 : i32
        %dma_wait3A_46 = arith.constant 0 : i32
        %dma_wait3A_47 = tpu.memref_slice %arg5[%dma_wait3A, %dma_wait3A_46] : memref<624x16xf32, #tpu.memory_space<vmem>> -> memref<32x16xf32, #tpu.memory_space<vmem>>
        %dma_wait3A_48 = arith.constant 9984 : i32
        %dma_wait3A_49 = arith.constant 0 : i32
        %dma_wait3A_50 = tpu.memref_slice %arg4[%dma_wait3A_48, %dma_wait3A_49] : memref<10016x16xf32, #tpu.memory_space<vmem_shared>> -> memref<32x16xf32, #tpu.memory_space<vmem_shared>>
        %dma_wait3A_51 = arith.constant 9984 : i32
        %dma_wait3A_52 = arith.constant 0 : i32
        %dma_wait3A_53 = tpu.memref_slice %arg4[%dma_wait3A_51, %dma_wait3A_52] : memref<10016x16xf32, #tpu.memory_space<vmem_shared>> -> memref<32x16xf32, #tpu.memory_space<vmem_shared>>
        %dma_wait3A_54 = arith.constant 0 : i32
        %dma_wait3A_55 = arith.constant 0 : i32
        %dma_wait3A_56 = tpu.memref_slice %arg5[%dma_wait3A_54, %dma_wait3A_55] : memref<624x16xf32, #tpu.memory_space<vmem>> -> memref<32x16xf32, #tpu.memory_space<vmem>>
        tpu.wait_dma2 semaphore(%run_scoped3A : memref<!tpu.dma_semaphore, #tpu.memory_space<semaphore_mem>>) src(%dma_wait3A_56 : memref<32x16xf32, #tpu.memory_space<vmem>>) dst(%dma_wait3A_53 : memref<32x16xf32, #tpu.memory_space<vmem_shared>>)
        tpu.yield
      }) : () -> ()
    } else {
    }
    %mul3A_18 = arith.constant 80 : i32
    %mul3A_19 = arith.muli %add3A, %mul3A_18 : i32
    "tpu.region"() ({
      %run_scoped3A = tpu.sem_alloc : memref<!tpu.dma_semaphore, #tpu.memory_space<semaphore_mem>>
      %dma_start3A = arith.constant 0 : i32
      %dma_start3A_35 = tpu.memref_slice %arg2[%mul3A_19, %dma_start3A] : memref<2560x128xi32, #tpu.memory_space<hbm>> -> memref<80x128xi32, #tpu.memory_space<hbm>>
      %dma_start3A_36 = arith.constant 0 : i32
      %dma_start3A_37 = tpu.memref_slice %arg2[%mul3A_19, %dma_start3A_36] : memref<2560x128xi32, #tpu.memory_space<hbm>> -> memref<80x128xi32, #tpu.memory_space<hbm>>
      tpu.enqueue_dma source(%dma_start3A_37 : memref<80x128xi32, #tpu.memory_space<hbm>>) target(%arg7 : memref<80x128xi32, #tpu.memory_space<vmem>>) target_semaphore(%run_scoped3A : memref<!tpu.dma_semaphore, #tpu.memory_space<semaphore_mem>>)
      %dma_wait3A = arith.constant 0 : i32
      %dma_wait3A_38 = tpu.memref_slice %arg2[%mul3A_19, %dma_wait3A] : memref<2560x128xi32, #tpu.memory_space<hbm>> -> memref<80x128xi32, #tpu.memory_space<hbm>>
      %dma_wait3A_39 = arith.constant 0 : i32
      %dma_wait3A_40 = tpu.memref_slice %arg2[%mul3A_19, %dma_wait3A_39] : memref<2560x128xi32, #tpu.memory_space<hbm>> -> memref<80x128xi32, #tpu.memory_space<hbm>>
      tpu.wait_dma2 semaphore(%run_scoped3A : memref<!tpu.dma_semaphore, #tpu.memory_space<semaphore_mem>>) src(%dma_wait3A_40 : memref<80x128xi32, #tpu.memory_space<hbm>>) dst(%arg7 : memref<80x128xi32, #tpu.memory_space<vmem>>)
      tpu.yield
    }) : () -> ()
    %barrier3A = arith.constant 0 : index
    tpu.barrier barrier_id(%barrier3A)
    %scan3A_20 = arith.constant 0 : i32
    %scan3A_21 = arith.constant 0 : i32
    %scan3A_22 = arith.constant 80 : i32
    %scan3A_23 = arith.addi %scan3A_21, %scan3A_22 : i32
    %scan3A_24 = arith.constant 1 : i32
    %scan3A_25 = scf.for %scan3A_35 = %scan3A_21 to %scan3A_23 step %scan3A_24 iter_args(%scan3A_36 = %scan3A_20) -> (i32)  : i32 {
      "tpu.region"() ({
        %run_scoped3A = tpu.sem_alloc : memref<!tpu.dma_semaphore, #tpu.memory_space<semaphore_mem>>
        %dma_start3A = arith.constant 0 : i32
        %dma_start3A_38 = tpu.memref_slice %arg7[%scan3A_35, %dma_start3A] : memref<80x128xi32, #tpu.memory_space<vmem>> -> memref<1x128xi32, #tpu.memory_space<vmem>>
        %dma_start3A_39 = tpu.memref_squeeze %dma_start3A_38 : memref<1x128xi32, #tpu.memory_space<vmem>> -> memref<128xi32, #tpu.memory_space<vmem>>
        %dma_start3A_40 = arith.constant 0 : i32
        %dma_start3A_41 = arith.constant 0 : i32
        %dma_start3A_42 = tpu.memref_slice %arg4[%dma_start3A_40, %dma_start3A_41] : memref<10016x16xf32, #tpu.memory_space<vmem_shared>> -> memref<10016x16xf32, #tpu.memory_space<vmem_shared>>
        tpu.enqueue_indirect_dma source(%arg6 : memref<128x16xf32, #tpu.memory_space<vmem>>) target(%dma_start3A_42 : memref<10016x16xf32, #tpu.memory_space<vmem_shared>>) offsets(%dma_start3A_39 : memref<128xi32, #tpu.memory_space<vmem>>) semaphore(%run_scoped3A : memref<!tpu.dma_semaphore, #tpu.memory_space<semaphore_mem>>) {add = true}
        %dma_wait3A = arith.constant 0 : i32
        %dma_wait3A_43 = tpu.memref_slice %arg7[%scan3A_35, %dma_wait3A] : memref<80x128xi32, #tpu.memory_space<vmem>> -> memref<1x128xi32, #tpu.memory_space<vmem>>
        %dma_wait3A_44 = tpu.memref_squeeze %dma_wait3A_43 : memref<1x128xi32, #tpu.memory_space<vmem>> -> memref<128xi32, #tpu.memory_space<vmem>>
        %dma_wait3A_45 = arith.constant 0 : i32
        %dma_wait3A_46 = arith.constant 0 : i32
        %dma_wait3A_47 = tpu.memref_slice %arg4[%dma_wait3A_45, %dma_wait3A_46] : memref<10016x16xf32, #tpu.memory_space<vmem_shared>> -> memref<10016x16xf32, #tpu.memory_space<vmem_shared>>
        tpu.wait_indirect_dma semaphore(%run_scoped3A : memref<!tpu.dma_semaphore, #tpu.memory_space<semaphore_mem>>) src(%arg6 : memref<128x16xf32, #tpu.memory_space<vmem>>) dst(%dma_wait3A_47 : memref<10016x16xf32, #tpu.memory_space<vmem_shared>>)
        tpu.yield
      }) : () -> ()
      %scan3A_37 = arith.constant 0 : i32
      scf.yield %scan3A_37 : i32
    }
    %scan3A_26 = arith.constant 80 : i32
    %barrier3A_27 = arith.constant 0 : index
    tpu.barrier barrier_id(%barrier3A_27)
    %mul3A_28 = arith.constant 624 : i32
    %mul3A_29 = arith.muli %arg1, %mul3A_28 : i32
    "tpu.region"() ({
      %run_scoped3A = tpu.sem_alloc : memref<!tpu.dma_semaphore, #tpu.memory_space<semaphore_mem>>
      %dma_start3A = arith.constant 0 : i32
      %dma_start3A_35 = tpu.memref_slice %arg3[%arg0, %mul3A_29, %dma_start3A] : memref<2x10000x16xf32, #tpu.memory_space<hbm>> -> memref<1x624x16xf32, #tpu.memory_space<hbm>>
      %dma_start3A_36 = tpu.memref_squeeze %dma_start3A_35 : memref<1x624x16xf32, #tpu.memory_space<hbm>> -> memref<624x16xf32, #tpu.memory_space<hbm>>
      %dma_start3A_37 = arith.constant 0 : i32
      %dma_start3A_38 = tpu.memref_slice %arg4[%mul3A_29, %dma_start3A_37] : memref<10016x16xf32, #tpu.memory_space<vmem_shared>> -> memref<624x16xf32, #tpu.memory_space<vmem_shared>>
      tpu.enqueue_dma source(%dma_start3A_38 : memref<624x16xf32, #tpu.memory_space<vmem_shared>>) target(%dma_start3A_36 : memref<624x16xf32, #tpu.memory_space<hbm>>) target_semaphore(%run_scoped3A : memref<!tpu.dma_semaphore, #tpu.memory_space<semaphore_mem>>)
      %dma_wait3A = arith.constant 0 : i32
      %dma_wait3A_39 = tpu.memref_slice %arg3[%arg0, %mul3A_29, %dma_wait3A] : memref<2x10000x16xf32, #tpu.memory_space<hbm>> -> memref<1x624x16xf32, #tpu.memory_space<hbm>>
      %dma_wait3A_40 = tpu.memref_squeeze %dma_wait3A_39 : memref<1x624x16xf32, #tpu.memory_space<hbm>> -> memref<624x16xf32, #tpu.memory_space<hbm>>
      %dma_wait3A_41 = arith.constant 0 : i32
      %dma_wait3A_42 = tpu.memref_slice %arg4[%mul3A_29, %dma_wait3A_41] : memref<10016x16xf32, #tpu.memory_space<vmem_shared>> -> memref<624x16xf32, #tpu.memory_space<vmem_shared>>
      tpu.wait_dma2 semaphore(%run_scoped3A : memref<!tpu.dma_semaphore, #tpu.memory_space<semaphore_mem>>) src(%dma_wait3A_42 : memref<624x16xf32, #tpu.memory_space<vmem_shared>>) dst(%dma_wait3A_40 : memref<624x16xf32, #tpu.memory_space<hbm>>)
      tpu.yield
    }) : () -> ()
    %eq3A_30 = arith.constant 15 : i32
    %eq3A_31 = arith.cmpi eq, %arg1, %eq3A_30 : i32
    %convert_element_type3A_32 = arith.extui %eq3A_31 : i1 to i32
    %cond3A_33 = arith.constant 0 : i32
    %cond3A_34 = arith.cmpi ne, %convert_element_type3A_32, %cond3A_33 : i32
    scf.if %cond3A_34 {
      "tpu.region"() ({
        %run_scoped3A = tpu.sem_alloc : memref<!tpu.dma_semaphore, #tpu.memory_space<semaphore_mem>>
        %dma_start3A = arith.constant 9984 : i32
        %dma_start3A_35 = arith.constant 0 : i32
        %dma_start3A_36 = tpu.memref_slice %arg3[%arg0, %dma_start3A, %dma_start3A_35] : memref<2x10000x16xf32, #tpu.memory_space<hbm>> -> memref<1x16x16xf32, #tpu.memory_space<hbm>>
        %dma_start3A_37 = tpu.memref_squeeze %dma_start3A_36 : memref<1x16x16xf32, #tpu.memory_space<hbm>> -> memref<16x16xf32, #tpu.memory_space<hbm>>
        %dma_start3A_38 = arith.constant 9984 : i32
        %dma_start3A_39 = arith.constant 0 : i32
        %dma_start3A_40 = tpu.memref_slice %arg4[%dma_start3A_38, %dma_start3A_39] : memref<10016x16xf32, #tpu.memory_space<vmem_shared>> -> memref<16x16xf32, #tpu.memory_space<vmem_shared>>
        tpu.enqueue_dma source(%dma_start3A_40 : memref<16x16xf32, #tpu.memory_space<vmem_shared>>) target(%dma_start3A_37 : memref<16x16xf32, #tpu.memory_space<hbm>>) target_semaphore(%run_scoped3A : memref<!tpu.dma_semaphore, #tpu.memory_space<semaphore_mem>>)
        %dma_wait3A = arith.constant 9984 : i32
        %dma_wait3A_41 = arith.constant 0 : i32
        %dma_wait3A_42 = tpu.memref_slice %arg3[%arg0, %dma_wait3A, %dma_wait3A_41] : memref<2x10000x16xf32, #tpu.memory_space<hbm>> -> memref<1x16x16xf32, #tpu.memory_space<hbm>>
        %dma_wait3A_43 = tpu.memref_squeeze %dma_wait3A_42 : memref<1x16x16xf32, #tpu.memory_space<hbm>> -> memref<16x16xf32, #tpu.memory_space<hbm>>
        %dma_wait3A_44 = arith.constant 9984 : i32
        %dma_wait3A_45 = arith.constant 0 : i32
        %dma_wait3A_46 = tpu.memref_slice %arg4[%dma_wait3A_44, %dma_wait3A_45] : memref<10016x16xf32, #tpu.memory_space<vmem_shared>> -> memref<16x16xf32, #tpu.memory_space<vmem_shared>>
        tpu.wait_dma2 semaphore(%run_scoped3A : memref<!tpu.dma_semaphore, #tpu.memory_space<semaphore_mem>>) src(%dma_wait3A_46 : memref<16x16xf32, #tpu.memory_space<vmem_shared>>) dst(%dma_wait3A_43 : memref<16x16xf32, #tpu.memory_space<hbm>>)
        tpu.yield
      }) : () -> ()
    } else {
    }
    return
  }
}

module attributes {stable_mosaic.version = 14 : i64} {
  func.func @_linear_body(%arg0: i32, %arg1: memref<2000x128xf32, #tpu.memory_space<vmem>>, %arg2: memref<128x128xf32, #tpu.memory_space<vmem>>, %arg3: memref<128x128xf32, #tpu.memory_space<vmem>>, %arg4: memref<128x128xf32, #tpu.memory_space<vmem>>, %arg5: memref<1x128xf32, #tpu.memory_space<vmem>>, %arg6: memref<1x128xf32, #tpu.memory_space<vmem>>, %arg7: memref<2x2000x16xf32, #tpu.memory_space<vmem>>, %arg8: memref<2000x128xf32, #tpu.memory_space<vmem>>, %arg9: memref<2000x1xf32, #tpu.memory_space<vmem>>, %arg10: memref<128x128xf32, #tpu.memory_space<vmem>>, %arg11: memref<1x128xf32, #tpu.memory_space<vmem>>) attributes {dimension_semantics = [#tpu.dimension_semantics<arbitrary>], iteration_bounds = array<i64: 5>, scalar_prefetch = 0 : i64, scratch_operands = 2 : i64, tpu.core_type = #tpu.core_type<tc>, window_params = [{transform_indices = @transform_0, window_bounds = array<i64: 2000, 128>}, {pipeline_mode = #tpu.pipeline_mode<synchronous>, transform_indices = @transform_1, window_bounds = array<i64: 128, 128>}, {pipeline_mode = #tpu.pipeline_mode<synchronous>, transform_indices = @transform_2, window_bounds = array<i64: 128, 128>}, {pipeline_mode = #tpu.pipeline_mode<synchronous>, transform_indices = @transform_3, window_bounds = array<i64: 128, 128>}, {pipeline_mode = #tpu.pipeline_mode<synchronous>, transform_indices = @transform_4, window_bounds = array<i64: 1, 128>}, {pipeline_mode = #tpu.pipeline_mode<synchronous>, transform_indices = @transform_5, window_bounds = array<i64: 1, 128>}, {transform_indices = @transform_6, window_bounds = array<i64: 2, 2000, 16>}, {transform_indices = @transform_7, window_bounds = array<i64: 2000, 128>}, {transform_indices = @transform_8, window_bounds = array<i64: 2000, 1>}]} {
    %eq3A = arith.constant 0 : i32
    %eq3A_0 = arith.cmpi eq, %arg0, %eq3A : i32
    %convert_element_type3A = arith.extui %eq3A_0 : i1 to i32
    %cond3A = arith.constant 0 : i32
    %cond3A_1 = arith.cmpi ne, %convert_element_type3A, %cond3A : i32
    scf.if %cond3A_1 {
      %get3A_32 = arith.constant 0 : index
      %get3A_33 = arith.constant 0 : index
      %get3A_34 = vector.load %arg2[%get3A_32, %get3A_33] : memref<128x128xf32, #tpu.memory_space<vmem>>, vector<128x128xf32>
      %get3A_35 = arith.constant 0 : index
      %get3A_36 = arith.constant 0 : index
      %get3A_37 = vector.load %arg3[%get3A_35, %get3A_36] : memref<128x128xf32, #tpu.memory_space<vmem>>, vector<128x128xf32>
      %dot_general3A_38 = arith.constant dense<0.000000e+00> : vector<128x128xf32>
      %dot_general3A_39 = tpu.matmul %get3A_34, %get3A_37, %dot_general3A_38 {dimension_numbers = #tpu.dot_dimension_numbers<[1], [0], [0], [1], [0, 0, 1, 1], [], []>, transpose_lhs_hint = false} : vector<128x128xf32>, vector<128x128xf32>, vector<128x128xf32> -> vector<128x128xf32>
      %get3A_40 = arith.constant 0 : index
      %get3A_41 = arith.constant 0 : index
      %get3A_42 = vector.load %arg4[%get3A_40, %get3A_41] : memref<128x128xf32, #tpu.memory_space<vmem>>, vector<128x128xf32>
      %dot_general3A_43 = arith.constant dense<0.000000e+00> : vector<128x128xf32>
      %dot_general3A_44 = tpu.matmul %dot_general3A_39, %get3A_42, %dot_general3A_43 {dimension_numbers = #tpu.dot_dimension_numbers<[1], [0], [0], [1], [0, 0, 1, 1], [], []>, transpose_lhs_hint = false} : vector<128x128xf32>, vector<128x128xf32>, vector<128x128xf32> -> vector<128x128xf32>
      %swap3A_45 = arith.constant 0 : index
      %swap3A_46 = arith.constant 0 : index
      %swap3A_47 = vector.load %arg10[%swap3A_45, %swap3A_46] : memref<128x128xf32, #tpu.memory_space<vmem>>, vector<128x128xf32>
      tpu.vector_store %arg10[%swap3A_45, %swap3A_46], %dot_general3A_44 {strides = array<i32>} : memref<128x128xf32, #tpu.memory_space<vmem>>, vector<128x128xf32>,
      %get3A_48 = arith.constant 0 : index
      %get3A_49 = arith.constant 0 : index
      %get3A_50 = vector.load %arg5[%get3A_48, %get3A_49] : memref<1x128xf32, #tpu.memory_space<vmem>>, vector<1x128xf32>
      %get3A_51 = arith.constant 0 : index
      %get3A_52 = arith.constant 0 : index
      %get3A_53 = vector.load %arg3[%get3A_51, %get3A_52] : memref<128x128xf32, #tpu.memory_space<vmem>>, vector<128x128xf32>
      %dot_general3A_54 = arith.constant dense<0.000000e+00> : vector<1x128xf32>
      %dot_general3A_55 = tpu.matmul %get3A_50, %get3A_53, %dot_general3A_54 {dimension_numbers = #tpu.dot_dimension_numbers<[1], [0], [0], [1], [0, 0, 1, 1], [], []>, transpose_lhs_hint = false} : vector<1x128xf32>, vector<128x128xf32>, vector<1x128xf32> -> vector<1x128xf32>
      %get3A_56 = arith.constant 0 : index
      %get3A_57 = arith.constant 0 : index
      %get3A_58 = vector.load %arg6[%get3A_56, %get3A_57] : memref<1x128xf32, #tpu.memory_space<vmem>>, vector<1x128xf32>
      %add3A_59 = arith.addf %dot_general3A_55, %get3A_58 : vector<1x128xf32>
      %get3A_60 = arith.constant 0 : index
      %get3A_61 = arith.constant 0 : index
      %get3A_62 = vector.load %arg4[%get3A_60, %get3A_61] : memref<128x128xf32, #tpu.memory_space<vmem>>, vector<128x128xf32>
      %dot_general3A_63 = arith.constant dense<0.000000e+00> : vector<1x128xf32>
      %dot_general3A_64 = tpu.matmul %add3A_59, %get3A_62, %dot_general3A_63 {dimension_numbers = #tpu.dot_dimension_numbers<[1], [0], [0], [1], [0, 0, 1, 1], [], []>, transpose_lhs_hint = false} : vector<1x128xf32>, vector<128x128xf32>, vector<1x128xf32> -> vector<1x128xf32>
      %swap3A_65 = arith.constant 0 : index
      %swap3A_66 = arith.constant 0 : index
      %swap3A_67 = vector.load %arg11[%swap3A_65, %swap3A_66] : memref<1x128xf32, #tpu.memory_space<vmem>>, vector<1x128xf32>
      tpu.vector_store %arg11[%swap3A_65, %swap3A_66], %dot_general3A_64 {strides = array<i32>} : memref<1x128xf32, #tpu.memory_space<vmem>>, vector<1x128xf32>,
    } else {
    }
    %get3A = arith.constant 0 : index
    %get3A_2 = arith.constant 0 : index
    %get3A_3 = arith.constant 0 : index
    %get3A_4 = vector.load %arg7[%get3A, %get3A_2, %get3A_3] : memref<2x2000x16xf32, #tpu.memory_space<vmem>>, vector<1x2000x1xf32>
    %get3A_5 = vector.shape_cast %get3A_4 : vector<1x2000x1xf32> to vector<2000x1xf32>
    %get3A_6 = arith.constant 1 : index
    %get3A_7 = arith.constant 0 : index
    %get3A_8 = arith.constant 0 : index
    %get3A_9 = vector.load %arg7[%get3A_6, %get3A_7, %get3A_8] : memref<2x2000x16xf32, #tpu.memory_space<vmem>>, vector<1x2000x1xf32>
    %get3A_10 = vector.shape_cast %get3A_9 : vector<1x2000x1xf32> to vector<2000x1xf32>
    %add3A = arith.addf %get3A_5, %get3A_10 : vector<2000x1xf32>
    %add3A_11 = arith.constant 1.000000e+00 : f32
    %add3A_12 = vector.broadcast %add3A_11 : f32 to vector<2000x1xf32>
    %add3A_13 = arith.addf %add3A, %add3A_12 : vector<2000x1xf32>
    %rsqrt3A = math.rsqrt %add3A_13 : vector<2000x1xf32>
    %get3A_14 = arith.constant 0 : index
    %get3A_15 = arith.constant 0 : index
    %get3A_16 = vector.load %arg1[%get3A_14, %get3A_15] : memref<2000x128xf32, #tpu.memory_space<vmem>>, vector<2000x128xf32>
    %get3A_17 = arith.constant 0 : index
    %get3A_18 = arith.constant 0 : index
    %get3A_19 = vector.load %arg10[%get3A_17, %get3A_18] : memref<128x128xf32, #tpu.memory_space<vmem>>, vector<128x128xf32>
    %dot_general3A = arith.constant dense<0.000000e+00> : vector<2000x128xf32>
    %dot_general3A_20 = tpu.matmul %get3A_16, %get3A_19, %dot_general3A {dimension_numbers = #tpu.dot_dimension_numbers<[1], [0], [0], [1], [0, 0, 1, 1], [], []>, transpose_lhs_hint = false} : vector<2000x128xf32>, vector<128x128xf32>, vector<2000x128xf32> -> vector<2000x128xf32>
    %get3A_21 = arith.constant 0 : index
    %get3A_22 = arith.constant 0 : index
    %get3A_23 = vector.load %arg11[%get3A_21, %get3A_22] : memref<1x128xf32, #tpu.memory_space<vmem>>, vector<1x128xf32>
    %add3A_24 = vector.broadcast %get3A_23 : vector<1x128xf32> to vector<2000x128xf32>
    %add3A_25 = arith.addf %dot_general3A_20, %add3A_24 : vector<2000x128xf32>
    %mul3A = vector.broadcast %rsqrt3A : vector<2000x1xf32> to vector<2000x128xf32>
    %mul3A_26 = arith.mulf %add3A_25, %mul3A : vector<2000x128xf32>
    %swap3A = arith.constant 0 : index
    %swap3A_27 = arith.constant 0 : index
    %swap3A_28 = vector.load %arg8[%swap3A, %swap3A_27] : memref<2000x128xf32, #tpu.memory_space<vmem>>, vector<2000x128xf32>
    tpu.vector_store %arg8[%swap3A, %swap3A_27], %mul3A_26 {strides = array<i32>} : memref<2000x128xf32, #tpu.memory_space<vmem>>, vector<2000x128xf32>,
    %swap3A_29 = arith.constant 0 : index
    %swap3A_30 = arith.constant 0 : index
    %swap3A_31 = vector.load %arg9[%swap3A_29, %swap3A_30] : memref<2000x1xf32, #tpu.memory_space<vmem>>, vector<2000x1xf32>
    tpu.vector_store %arg9[%swap3A_29, %swap3A_30], %rsqrt3A {strides = array<i32>} : memref<2000x1xf32, #tpu.memory_space<vmem>>, vector<2000x1xf32>,
    return
  }
  func.func @transform_0(%arg0: i32) -> (i32, i32) {
    %c0_i32 = arith.constant 0 : i32
    %c0_i32_0 = arith.constant 0 : i32
    return %arg0, %c0_i32 : i32, i32
  }
  func.func @transform_1(%arg0: i32) -> (i32, i32) {
    %c0_i32 = arith.constant 0 : i32
    %c0_i32_0 = arith.constant 0 : i32
    %c0_i32_1 = arith.constant 0 : i32
    return %c0_i32, %c0_i32_0 : i32, i32
  }
  func.func @transform_2(%arg0: i32) -> (i32, i32) {
    %c0_i32 = arith.constant 0 : i32
    %c0_i32_0 = arith.constant 0 : i32
    %c0_i32_1 = arith.constant 0 : i32
    return %c0_i32, %c0_i32_0 : i32, i32
  }
  func.func @transform_3(%arg0: i32) -> (i32, i32) {
    %c0_i32 = arith.constant 0 : i32
    %c0_i32_0 = arith.constant 0 : i32
    %c0_i32_1 = arith.constant 0 : i32
    return %c0_i32, %c0_i32_0 : i32, i32
  }
  func.func @transform_4(%arg0: i32) -> (i32, i32) {
    %c0_i32 = arith.constant 0 : i32
    %c0_i32_0 = arith.constant 0 : i32
    %c0_i32_1 = arith.constant 0 : i32
    return %c0_i32, %c0_i32_0 : i32, i32
  }
  func.func @transform_5(%arg0: i32) -> (i32, i32) {
    %c0_i32 = arith.constant 0 : i32
    %c0_i32_0 = arith.constant 0 : i32
    %c0_i32_1 = arith.constant 0 : i32
    return %c0_i32, %c0_i32_0 : i32, i32
  }
  func.func @transform_6(%arg0: i32) -> (i32, i32, i32) {
    %c0_i32 = arith.constant 0 : i32
    %c0_i32_0 = arith.constant 0 : i32
    %c0_i32_1 = arith.constant 0 : i32
    return %c0_i32, %arg0, %c0_i32_0 : i32, i32, i32
  }
  func.func @transform_7(%arg0: i32) -> (i32, i32) {
    %c0_i32 = arith.constant 0 : i32
    %c0_i32_0 = arith.constant 0 : i32
    return %arg0, %c0_i32 : i32, i32
  }
  func.func @transform_8(%arg0: i32) -> (i32, i32) {
    %c0_i32 = arith.constant 0 : i32
    %c0_i32_0 = arith.constant 0 : i32
    return %arg0, %c0_i32 : i32, i32
  }
}

module attributes {stable_mosaic.version = 14 : i64} {
  func.func @_epilogue_body(%arg0: i32, %arg1: memref<2x2000x128xf32, #tpu.memory_space<vmem>>, %arg2: memref<2000x128xf32, #tpu.memory_space<vmem>>, %arg3: memref<2000x1xf32, #tpu.memory_space<vmem>>, %arg4: memref<1x128xf32, #tpu.memory_space<vmem>>, %arg5: memref<2000x128xf32, #tpu.memory_space<vmem>>) attributes {dimension_semantics = [#tpu.dimension_semantics<arbitrary>], iteration_bounds = array<i64: 5>, scalar_prefetch = 0 : i64, scratch_operands = 0 : i64, tpu.core_type = #tpu.core_type<tc>, window_params = [{transform_indices = @transform_0, window_bounds = array<i64: 2, 2000, 128>}, {transform_indices = @transform_1, window_bounds = array<i64: 2000, 128>}, {transform_indices = @transform_2, window_bounds = array<i64: 2000, 1>}, {pipeline_mode = #tpu.pipeline_mode<synchronous>, transform_indices = @transform_3, window_bounds = array<i64: 1, 128>}, {transform_indices = @transform_4, window_bounds = array<i64: 2000, 128>}]} {
    %get3A = arith.constant 0 : index
    %get3A_0 = arith.constant 0 : index
    %get3A_1 = arith.constant 0 : index
    %get3A_2 = vector.load %arg1[%get3A, %get3A_0, %get3A_1] : memref<2x2000x128xf32, #tpu.memory_space<vmem>>, vector<1x2000x128xf32>
    %get3A_3 = vector.shape_cast %get3A_2 : vector<1x2000x128xf32> to vector<2000x128xf32>
    %get3A_4 = arith.constant 1 : index
    %get3A_5 = arith.constant 0 : index
    %get3A_6 = arith.constant 0 : index
    %get3A_7 = vector.load %arg1[%get3A_4, %get3A_5, %get3A_6] : memref<2x2000x128xf32, #tpu.memory_space<vmem>>, vector<1x2000x128xf32>
    %get3A_8 = vector.shape_cast %get3A_7 : vector<1x2000x128xf32> to vector<2000x128xf32>
    %add3A = arith.addf %get3A_3, %get3A_8 : vector<2000x128xf32>
    %get3A_9 = arith.constant 0 : index
    %get3A_10 = arith.constant 0 : index
    %get3A_11 = vector.load %arg2[%get3A_9, %get3A_10] : memref<2000x128xf32, #tpu.memory_space<vmem>>, vector<2000x128xf32>
    %add3A_12 = arith.addf %add3A, %get3A_11 : vector<2000x128xf32>
    %get3A_13 = arith.constant 0 : index
    %get3A_14 = arith.constant 0 : index
    %get3A_15 = vector.load %arg3[%get3A_13, %get3A_14] : memref<2000x1xf32, #tpu.memory_space<vmem>>, vector<2000x1xf32>
    %mul3A = vector.broadcast %get3A_15 : vector<2000x1xf32> to vector<2000x128xf32>
    %mul3A_16 = arith.mulf %add3A_12, %mul3A : vector<2000x128xf32>
    %get3A_17 = arith.constant 0 : index
    %get3A_18 = arith.constant 0 : index
    %get3A_19 = vector.load %arg4[%get3A_17, %get3A_18] : memref<1x128xf32, #tpu.memory_space<vmem>>, vector<1x128xf32>
    %add3A_20 = vector.broadcast %get3A_19 : vector<1x128xf32> to vector<2000x128xf32>
    %add3A_21 = arith.addf %mul3A_16, %add3A_20 : vector<2000x128xf32>
    %swap3A = arith.constant 0 : index
    %swap3A_22 = arith.constant 0 : index
    %swap3A_23 = vector.load %arg5[%swap3A, %swap3A_22] : memref<2000x128xf32, #tpu.memory_space<vmem>>, vector<2000x128xf32>
    tpu.vector_store %arg5[%swap3A, %swap3A_22], %add3A_21 {strides = array<i32>} : memref<2000x128xf32, #tpu.memory_space<vmem>>, vector<2000x128xf32>,
    return
  }
  func.func @transform_0(%arg0: i32) -> (i32, i32, i32) {
    %c0_i32 = arith.constant 0 : i32
    %c0_i32_0 = arith.constant 0 : i32
    %c0_i32_1 = arith.constant 0 : i32
    return %c0_i32, %arg0, %c0_i32_0 : i32, i32, i32
  }
  func.func @transform_1(%arg0: i32) -> (i32, i32) {
    %c0_i32 = arith.constant 0 : i32
    %c0_i32_0 = arith.constant 0 : i32
    return %arg0, %c0_i32 : i32, i32
  }
  func.func @transform_2(%arg0: i32) -> (i32, i32) {
    %c0_i32 = arith.constant 0 : i32
    %c0_i32_0 = arith.constant 0 : i32
    return %arg0, %c0_i32 : i32, i32
  }
  func.func @transform_3(%arg0: i32) -> (i32, i32) {
    %c0_i32 = arith.constant 0 : i32
    %c0_i32_0 = arith.constant 0 : i32
    %c0_i32_1 = arith.constant 0 : i32
    return %c0_i32, %c0_i32_0 : i32, i32
  }
  func.func @transform_4(%arg0: i32) -> (i32, i32) {
    %c0_i32 = arith.constant 0 : i32
    %c0_i32_0 = arith.constant 0 : i32
    return %arg0, %c0_i32 : i32, i32
  }
}

</mosaic_0001>

<sc_bundles>
// kernel: kernel.6.cloned.1.call-start
scs
__scs_entry_jumppad:
0x0: {  	(pc) =	sbr.rel $0x88, $3  }
0x1: {  	(tag) =	ssettag $0x0;
	lr =	simm.s32 $0x1  }
0x2: {  	[smem:$0x3F99] =	sst lr;
	_ =	strace $0xD0000000  }
0x3: {  	_ = 	snop  }
0x4: {  	_ = 	snop  }
0x5: {  	_ = 	snop  }
0x6: {  	_ = 	snop  }
0x7: {  	_ = 	snop  }
__scs_overlays_trampoline_lowered:
0x8: {  	[smem:$0x3FA8] =	sst s0  }
0x9: {  	[smem:$0x3FA9] =	sst s1  }
0xa: {  	[smem:$0x3FAA] =	sst s2  }
0xb: {  	[smem:$0x3FAB] =	sst s3  }
0xc: {  	[smem:$0x3FAC] =	sst s4  }
0xd: {  	[smem:$0x3FAD] =	sst s5  }
0xe: {  	[smem:$0x3FAE] =	sst s6  }
0xf: {  	[smem:$0x3FAF] =	sst s7  }
0x10: {  	[smem:$0x3FB0] =	sst s8  }
0x11: {  	[smem:$0x3FB1] =	sst s9;
	s0 =	simm.s32 @!p0 $0x0  }
0x12: {  	s1 =	sld [smem:$0x3F97];
	s0 =	simm.s32 @p0 $0x1  }
0x13: {  	[smem:$0x3FB2] =	sst s0;
	s0 =	simm.s32 @!p1 $0x0  }
0x14: {  	s2 =	sld [smem:$0x3F96];
	s0 =	simm.s32 @p1 $0x1  }
0x15: {  	[smem:$0x3FB3] =	sst s0;
	s0 =	simm.s32 @!p2 $0x0  }
0x16: {  	s3 =	sld [smem:$0x3FDB];
	s0 =	simm.s32 @p2 $0x1  }
0x17: {  	s4 =	simm.s32 $0x1BF5;
	[smem:$0x3FB5] =	sst s0  }
0x18: {  	s0 =	sld [smem:$0x3F98];
	_ =	swait.ge [sflag:s4], $0x0  }
0x19: {  	s7 =	sld [smem:$0x3F99]  }
0x1a: {  	s8 =	sadd.s32 $0xFFFFE003, lr  }
0x1b: {  	s9 =	sadd.s32 $0xFFFFFEF7, lr;
	s5 =	simm.s32 $0xFFFFFFFF;
	p2 =	slt.u32 s8, $0xFFFFF086  }
0x1c: {  	p1 =	slt.u32 s9, $0xF7A;
	s5 =	simm.s32 @!p2 $0x0  }
0x1d: {  	s5 =	simm.s32 @p1 $0x1;
	p0 =	seq.s32 s7, s2  }
0x1e: {  	s7 =	smul.u32 @!p0 $0xF7A, s2;
	p2 =	seq.s32 @!p0 s5, $0x0  }
0x1f: {  	s9 =	smul.u32 $0xF7A, s1;
	s8 =	simm.s32 @!p0 $0x1BF5;
	p2 =	por !p2, p0  }
0x20: {  	[sflag:s8] =	ssyncset.s32 @!p0 $0xFFFFF086;
	s6 =	sadd.s32 @!p0 s3, s7;
	s7 =	simm.s32 @!p0 $0x108  }
0x21: {  	s3 =	sadd.s32 s3, s9;
	s6 =	sadd.s32 @!p0 $0x88, s6;
	s7 =	simm.s32 @p2 $0x1082  }
0x22: {  	[simem:s7], [sflag:s8] =	dma.local @!p0 [hbm:s6], $0xF7A  }
0x23: {  	s9 =	sor.u32 $0xD0000000, s2;
	s6 =	simm.s32 $0x108;
	_ =	swait.ge @!p0 [sflag:s8], $0x0  }
0x24: {  	s3 =	sadd.s32 $0x88, s3;
	s6 =	simm.s32 @!p1 $0x1082;
	[sflag:s4] =	ssyncset.s32 $0xFFFFF086  }
0x25: {  	[simem:s6], [sflag:s4] =	dma.local [hbm:s3], $0xF7A  }
0x26: {  	[smem:$0x3F99] =	sst s1;
	(tag) =	ssettag s2;
	_ =	strace s9  }
0x27: {  	s1 =	sld [smem:$0x3FA9]  }
0x28: {  	s2 =	sld [smem:$0x3FAA]  }
0x29: {  	s4 =	sld [smem:$0x3FAC]  }
0x2a: {  	p0 =	seq.s32 s5, $0x0;
	s5 =	sld [smem:$0x3FAD]  }
0x2b: {  	s6 =	sld [smem:$0x3FAE]  }
0x2c: {  	s7 =	sld [smem:$0x3FAF]  }
0x2d: {  	s3 =	simm.s32 $0x108;
	s8 =	sld [smem:$0x3FB0]  }
0x2e: {  	s3 =	simm.s32 @!p0 $0x1082;
	s9 =	sld [smem:$0x3FB1]  }
0x2f: {  	lr =	sadd.s32 s0, s3;
	s0 =	sld [smem:$0x3FA8]  }
0x30: {  	s3 =	sld [smem:$0x3FAB]  }
0x31: {  	[smem:$0x3FB4] =	sst s10  }
0x32: {  	s10 =	sld [smem:$0x3FB2];
	_ =	sdelay $0x3  }
0x33: {  	p0 =	seq.s32 s10, $0x1;
	s10 =	sld [smem:$0x3FB4];
	_ =	sdelay $0x3  }
0x34: {  	[smem:$0x3FB4] =	sst s10  }
0x35: {  	s10 =	sld [smem:$0x3FB3];
	_ =	sdelay $0x3  }
0x36: {  	p1 =	seq.s32 s10, $0x1;
	s10 =	sld [smem:$0x3FB4];
	_ =	sdelay $0x3  }
0x37: {  	[smem:$0x3FB4] =	sst s10  }
0x38: {  	s10 =	sld [smem:$0x3FB5]  }
0x39: {  	_ = 	snop;
	(pc) =	sbr.ind lr, $3  }
0x3a: {  	_ = 	snop  }
0x3b: {  	_ = 	snop  }
0x3c: {  	p2 =	seq.s32 s10, $0x1;
	s10 =	sld [smem:$0x3FB4]  }
0x3d: {  	_ =	shalt  }
0x3e: {  	_ =	shalt  }
0x3f: {  	_ =	shalt  }
0x40: {  	_ =	shalt  }
0x41: {  	_ =	shalt  }
0x42: {  	_ =	shalt  }
0x43: {  	_ =	shalt  }
0x44: {  	_ =	shalt  }
0x45: {  	_ =	shalt  }
0x46: {  	_ =	shalt  }
0x47: {  	_ =	shalt  }
0x48: {  	_ =	shalt  }
0x49: {  	_ =	shalt  }
0x4a: {  	_ =	shalt  }
0x4b: {  	_ =	shalt  }
0x4c: {  	_ =	shalt  }
0x4d: {  	_ =	shalt  }
0x4e: {  	_ =	shalt  }
0x4f: {  	_ =	shalt  }
0x50: {  	_ =	shalt  }
0x51: {  	_ =	shalt  }
0x52: {  	_ =	shalt  }
0x53: {  	_ =	shalt  }
0x54: {  	_ =	shalt  }
0x55: {  	_ =	shalt  }
0x56: {  	_ =	shalt  }
0x57: {  	_ =	shalt  }
0x58: {  	_ =	shalt  }
0x59: {  	_ =	shalt  }
0x5a: {  	_ =	shalt  }
0x5b: {  	_ =	shalt  }
0x5c: {  	_ =	shalt  }
0x5d: {  	_ =	shalt  }
0x5e: {  	_ =	shalt  }
0x5f: {  	_ =	shalt  }
0x60: {  	_ =	shalt  }
0x61: {  	_ =	shalt  }
0x62: {  	_ =	shalt  }
0x63: {  	_ =	shalt  }
0x64: {  	_ =	shalt  }
0x65: {  	_ =	shalt  }
0x66: {  	_ =	shalt  }
0x67: {  	_ =	shalt  }
0x68: {  	_ =	shalt  }
0x69: {  	_ =	shalt  }
0x6a: {  	_ =	shalt  }
0x6b: {  	_ =	shalt  }
0x6c: {  	_ =	shalt  }
0x6d: {  	_ =	shalt  }
0x6e: {  	_ =	shalt  }
0x6f: {  	_ =	shalt  }
0x70: {  	_ =	shalt  }
0x71: {  	_ =	shalt  }
0x72: {  	_ =	shalt  }
0x73: {  	_ =	shalt  }
0x74: {  	_ =	shalt  }
0x75: {  	_ =	shalt  }
0x76: {  	_ =	shalt  }
0x77: {  	_ =	shalt  }
0x78: {  	_ =	shalt  }
0x79: {  	_ =	shalt  }
0x7a: {  	_ =	shalt  }
0x7b: {  	_ =	shalt  }
0x7c: {  	_ =	shalt  }
0x7d: {  	_ =	shalt  }
0x7e: {  	_ =	shalt  }
0x7f: {  	_ =	shalt  }
0x80: {  	_ =	shalt  }
0x81: {  	_ =	shalt  }
0x82: {  	_ =	shalt  }
0x83: {  	_ =	shalt  }
0x84: {  	_ =	shalt  }
0x85: {  	_ =	shalt  }
0x86: {  	_ =	shalt  }
0x87: {  	_ =	shalt  }
.Lfunc_end0:
.L_simem_size_0:
called_computation_lowered:
.L_overlay_start_0:
0x88: {  	s2 =	sld [smem:$0x3FD9]  }
0x89: {  	s3 =	sld [smem:$0x3FFE];
	_ =	sdelay $0x1  }
0x8a: {  	s1 =	srdreg.scid  }
0x8b: {  	s0 =	sand.u32 $0x1, s1  }
0x8c: {  	s17 =	sshll.u32 s0, $0xA;
	s2 =	sadd.s32 s3, s2  }
0x8d: {  	s2 =	sadd.s32 s2, s17  }
0x8e: {  	[smem:$0x3FC0] =	sst s2  }
0x8f: {  	_ = 	snop  }
0x90: {  	s2 =	sld [smem:$0x3FD0];
	(tm) =	ssettm $0x1  }
0x91: {  	s18 =	sld [smem:$0x3FFB];
	_ =	sdelay $0x3  }
0x92: {  	_ =	strace s18  }
0x93: {  	s3 =	sld [smem:$0x3FFC];
	_ =	sdelay $0x3  }
0x94: {  	_ =	strace s3  }
0x95: {  	s3 =	sld [smem:$0x3FFD];
	_ =	sdelay $0x3  }
0x96: {  	_ =	strace s3  }
0x97: {  	_ =	strace $0x8FFFFFFF  }
0x98: {  	s19 =	sld [smem:$0x3FDB];
	_ =	sdelay $0x1  }
0x99: {  	s4 =	simm.s32 $_scs_section_size  }
0x9a: {  	s5 =	simm.s32 $_size__tile_overlayer_lowered;
	s6 =	simm.s32 $_tile_overlayer_lowered  }
0x9b: {  	s22 =	simm.s32 $0x1BFF;
	s21 =	sshll.u32 s6, $0x1;
	s3 =	sadd.s32 s4, s19  }
0x9c: {  	s7 =	simm.s32 $0x0;
	s20 =	sshll.u32 s5, $0x1;
	s5 =	sadd.s32 s21, s3  }
0x9d: {  	[timem:s7], [sflag:s22] =	dma.local [hbm:s5], s20  }
0x9e: {  	_ =	swait.ge [sflag:s22], s20  }
0x9f: {  	s4 =	ssub.s32 $0x0, s20;
	[sflag:s22] =	ssyncset.done $0x0  }
0xa0: {  	[sflag:s22] =	ssyncadd.s32 s4;
	_ =	sdelay $0x1  }
0xa1: {  	s23 =	simm.s32 $0x1B8B  }
0xa2: {  	_ =	swait.ge [sflag:s23], $0x1  }
0xa3: {  	[sflag:s23] =	ssyncset.done $0x0  }
0xa4: {  	s25 =	simm.s32 $0x1B8E;
	s24 =	sld [smem:$0x3FFE];
	[sflag:s23] =	ssyncadd.s32 $0xFFFFFFFF  }
0xa5: {  	s26 =	simm.s32 $execute0_lowered;
	[smem:$0x3FD2] =	sst s25  }
0xa6: {  	s5 =	sshll.u32 s26, $0x1;
	_ =	strace $0x80000046;
	[dreg:$0x1] =	wrdreg $0xFFFFFFFF  }
0xa7: {  	s28 =	simm.s32 $_size_execute0_lowered;
	s3 =	sadd.s32 s3, s5;
	[dreg:$0x0] =	wrdreg $0x0  }
0xa8: {  	s5 =	sshll.u32 s28, $0x1;
	[dreg:$0x2] =	wrdreg s3  }
0xa9: {  	[dreg:$0x3] =	wrdreg s5  }
0xaa: {  	[dreg:$0x4] =	wrdreg $0xC0  }
0xab: {  	_ =	task [dreg:s7], $0x5FFFF  }
0xac: {  	[dreg:$0x1] =	wrdreg $0xFFFFFFFF  }
0xad: {  	[dreg:$0x0] =	wrdreg $0x60  }
0xae: {  	[dreg:$0x2] =	wrdreg s2  }
0xaf: {  	[dreg:$0x3] =	wrdreg s24  }
0xb0: {  	[dreg:$0x4] =	wrdreg $0x0  }
0xb1: {  	[dreg:$0x5] =	wrdreg $0x9  }
0xb2: {  	_ =	task.clear_ibuf [dreg:s7], $0x6FFFF;
	_ =	strace $0x90000046  }
0xb3: {  	s29 =	simm.s32 $0x9;
	_ =	strace $0x80000048  }
0xb4: {  	_ =	swait.ge [sflag:s29], $0x1  }
0xb5: {  	[sflag:s29] =	ssyncadd.s32 $0xFFFFFFFF  }
0xb6: {  	_ =	strace $0x90000048  }
0xb7: {  	_ =	sfence  }
0xb8: {  	s30 =	sld [smem:$0x0];
	_ =	sdelay $0x2  }
0xb9: {  	s31 =	sshll.u32 s1, $0xD;
	s1 =	sshrl.u32 s1, $0x2  }
0xba: {  	s3 =	sand.u32 $0x4000, s31;
	s1 =	sadd.s32 s1, s30  }
0xbb: {  	s0 =	sor.u32 s3, s0;
	s1 =	sshll.u32 s1, $0x11  }
0xbc: {  	s0 =	sor.u32 s1, s0  }
0xbd: {  	s0 =	sadd.s32 $0x8F2B, s0  }
0xbe: {  	[sflag:s0] =	ssyncadd.remote.s32 $0x1  }
0xbf: {  	_ =	sfence.sel $0xFFFF  }
0xc0: {  	[dreg:$0x0] =	wrdreg $0xFFFFFFFF;
	(pc) =	sbr.abs _section_cstart, $3  }
0xc1: {  	[dreg:$0x1] =	wrdreg $0xFFFFFFFF  }
0xc2: {  	_ =	task.clear_ibuf [dreg:s7], $0x2FFFF;
	_ =	strace $0x9FFFFFFF  }
0xc3: {  	(tm) =	ssettm $0x7FFFFFFF  }
tec
execute0_lowered:
.L_overlay_start_1:
0x0: {  	(tag) =	ssettag $0x1  }
0x1: {  	s6 =	rddreg [dreg:$0x0]  }
0x2: {  	s4 =	rddreg [dreg:$0x1]  }
0x3: {  	s1 =	rddreg [dreg:$0x2]  }
0x4: {  	s0 =	rddreg [dreg:$0x3];
	s3 =	simm.s32 $0x0  }
0x5: {  	s5 =	srdreg.scid;
	s2 =	stileid.u32;
	s13 =	simm.s32 $0x80  }
0x6: {  	s14 =	simm.s32 $0x15F20;
	[smem:$0x7FF] =	sst s3;
	s5 =	sand.u32 $0x1, s5  }
0x7: {  	s7 =	smul.u32 $0x4E000, s2;
	s8 =	sadd.s32 $0x2200, s4;
	s11 =	sshll.u32 s2, $0x1  }
0x8: {  	s12 =	smul.u32 $0x13800, s2;
	p0 =	sne.s32 s2, $0xF;
	s15 =	sshll.u32 s2, $0x6  }
0x9: {  	_ =	strace $0x80000047;
	s28 =	ssub.s32 $0x2, s5;
	s9 =	smul.u32 $0x138800, s5  }
0xa: {  	s5 =	sor.u32 s5, s11;
	s15 =	sor.u32 $0x1C01, s15;
	s10 =	sshrl.u32 s28, $0x1  }
0xb: {  	s29 =	sshrl.u32 s7, $0x2;
	s30 =	smul.u32 $0x500, s5;
	s5 =	sadd.s32 $0x138000, s1  }
0xc: {  	s10 =	ssub.s32 s28, s10;
	s4 =	sadd.s32 s29, s1;
	s31 =	sadd.s32 s12, s9  }
0xd: {  	s9 =	sshrl.u32 s9, $0x3;
	s12 =	simm.s32 $0x19F20;
	s17 =	sshrl.u32 @!p0 s5, $0x3  }
0xe: {  	s11 =	sshrl.u32 s31, $0x3;
	s6 =	sadd.s32 s6, s30;
	s16 =	sshrl.u32 s4, $0x3  }
0xf: {  	s7 =	sadd.s32 s8, s11;
	s8 =	sadd.s32 s8, s9;
	s9 =	smax.u32 s10, $0x1  }
0x10: {  	v0 =	vimm.f32 $0.0e+00;
	v1 =	vimm.f32 $1.000000000e+00;
	s10 =	simm.s32 $0x2720;
	s11 =	simm.s32 $0x1;
	s8 =	sadd.s32 $0x27000, s8  }
.LBB2_1:
0x11: {  	s18 =	simm.s32 $0x0  }
.LBB2_2:
0x12: {  	p1 =	sne.s32 s18, $0x4DE00  }
.Ltmp0:
0x13: {  	_ = 	snop;
	(pc) =	sbr.rel @p1 .LBB2_2-.Ltmp0, $3  }
0x14: {  	_ =	sdelay $0x1  }
0x15: {  	s19 =	sshra.s32 s18, $0x2  }
0x16: {  	s18 =	sadd.s32 $0x200, s18;
	[tilespmem:s19+$0x2720] =	vst v0  }
0x17: {  	s18 =	simm.s32 $0x200;
	s19 =	simm.s32 $0x0  }
.LBB2_4:
0x18: {  	p1 =	sne.s32 s18, $0xFE00;
	[tilespmem:s19+$0x15F20] =	vst v1;
	s19 =	smov.u32 s18;
	s18 =	sadd.s32 $0x200, s18  }
.Ltmp1:
0x19: {  	(pc) =	sbr.rel @p1 .LBB2_4-.Ltmp1, $2  }
0x1a: {  	_ =	sdelay $0x2  }
0x1b: {  	s19 =	sshra.s32 s19, $0x2  }
0x1c: {  	[tilespmem:s19+$0x15F20] =	vst v1  }
0x1d: {  	[spmem:s4] =	stream.linear.scatter [tilespmem:s10], [sflag:$0x1], $0x13800, $0x38;
	[tilespmem:$0x1C720] =	vst v63  }
0x1e: {  	_ =	swait.ge [sflag:s11], $0x13800  }
0x1f: {  	[sflag:s11] =	ssyncset.done $0x0  }
0x20: {  	s18 =	simm.s32 @!p0 $0x2720;
	[sflag:s11] =	ssyncadd.s32 $0xFFFEC800  }
0x21: {  	[spmem:s5] =	stream.linear.scatter @!p0 [tilespmem:s18], [sflag:$0x1], $0x1000, $0x38;
	[tilespmem:$0x1C720] =	vst v63  }
0x22: {  	s18 =	simm.s32 @!p0 $0x1  }
0x23: {  	_ =	swait.ge @!p0 [sflag:s18], $0x1000  }
0x24: {  	[sflag:s18] =	ssyncset.done @!p0 $0x0  }
0x25: {  	s30 =	simm.s32 $0x0;
	[sflag:s18] =	ssyncadd.s32 @!p0 $0xFFFFF000  }
0x26: {  	[tilespmem:s12], [sflag:$0x1] =	stream.linear.gather [hbm4b:s6+s30], $0x2800, $0x38;
	[tilespmem:$0x1C720] =	vst v63  }
0x27: {  	_ =	swait.ge [sflag:s11], $0x2800  }
0x28: {  	[sflag:s11] =	ssyncset.done $0x0  }
0x29: {  	[sflag:s11] =	ssyncadd.s32 $0xFFFFD800  }
0x2a: {  	s31 =	simm.s32 $0x19F20;
	[bflag:$0x0] =	sbarrier.arrive $0xFFFF  }
0x2b: {  	[spmem:s1] =	stream.indirect.scatter.add.f32 [tilespmem:s14], [sflag:$0x1], $0x10, s31, s13, $0xb8;
	[tilespmem:$0x1C720] =	vst v63  }
0x2c: {  	s18 =	simm.s32 $0x200;
	_ =	swait.ge [sflag:s11], $0x800  }
.LBB2_6:
0x2d: {  	s19 =	sshra.s32 s18, $0x2;
	[sflag:s11] =	ssyncset.done $0x0;
	p1 =	sne.s32 s18, $0x9E00  }
.Ltmp2:
0x2e: {  	s19 =	sadd.s32 $0x19F20, s19;
	[sflag:s11] =	ssyncadd.s32 $0xFFFFF800;
	(pc) =	sbr.rel @p1 .LBB2_6-.Ltmp2, $3  }
0x2f: {  	[spmem:s1] =	stream.indirect.scatter.add.f32 [tilespmem:s14], [sflag:$0x1], $0x10, s19, s13, $0xb8;
	[tilespmem:$0x1C720] =	vst v63  }
0x30: {  	s18 =	sadd.s32 $0x200, s18;
	_ =	sdelay $0x1  }
0x31: {  	_ =	swait.ge [sflag:s11], $0x800  }
0x32: {  	[sflag:s11] =	ssyncset.done $0x0  }
0x33: {  	[sflag:s11] =	ssyncadd.s32 $0xFFFFF800  }
0x34: {  	[bflag:$0x0] =	sbarrier.arrive $0xFFFF  }
0x35: {  	[hbm:s7], [sflag:s15] =	dma.local [spmem:s16], $0x2700  }
0x36: {  	s3 =	sadd.s32 $0x1, s3;
	_ =	swait.ge [sflag:s11], $0x2700  }
0x37: {  	p1 =	sne.s32 s3, s9;
	[sflag:s11] =	ssyncset.done $0x0  }
.Ltmp3:
0x38: {  	s18 =	simm.s32 @!p0 $0x1;
	[sflag:s11] =	ssyncadd.s32 $0xFFFFD900;
	(pc) =	sbr.rel @p1 .LBB2_1-.Ltmp3, $4  }
0x39: {  	[hbm:s8], [sflag:s15] =	dma.local @!p0 [spmem:s17], $0x100  }
0x3a: {  	_ =	swait.ge @!p0 [sflag:s18], $0x100  }
0x3b: {  	[sflag:s18] =	ssyncset.done @!p0 $0x0  }
0x3c: {  	[sflag:s18] =	ssyncadd.s32 @!p0 $0xFFFFFF00  }
0x3d: {  	_ =	sfence.sel $0x180000  }
0x3e: {  	[bflag:$0x0] =	sbarrier.arrive $0xFFFF  }
0x3f: {  	p0 =	sne.s32 s2, $0x0;
	_ =	strace $0x90000047  }
0x40: {  	s0 =	sadd.s32 @!p0 $0x100000, s0;
	[bflag:$0x2] =	sbarrier.arrive $0xFFFF  }
0x41: {  	[sflag:s0] =	ssyncadd.tile.s32 @!p0 $0x1;
	_ =	shalt  }
.Lfunc_end2:
_tile_overlayer_lowered:
.L_overlay_start_2:
0x42: {  	(tag) =	ssettag $0x2  }
0x43: {  	s0 =	rddreg [dreg:$0x0];
	s2 =	stileid.u32  }
0x44: {  	s1 =	rddreg [dreg:$0x1];
	p0 =	sne.s32 s2, $0x0  }
0x45: {  	s3 =	rddreg [dreg:$0x2];
	[bflag:$0x3] =	sbarrier.arrive $0xFFFF;
	s2 =	simm.s32 @!p0 $0x1C01  }
0x46: {  	[timem:s3], [sflag:s2] =	dma.local @!p0 [hbm:s0], s1  }
0x47: {  	s0 =	simm.s32 @!p0 $0x1  }
0x48: {  	_ =	swait.ge @!p0 [sflag:s0], s1  }
0x49: {  	s1 =	ssub.s32 @!p0 $0x0, s1;
	[sflag:s0] =	ssyncset.done @!p0 $0x0  }
0x4a: {  	[sflag:s0] =	ssyncadd.s32 @!p0 s1  }
0x4b: {  	[bflag:$0x3] =	sbarrier.arrive $0xFFFF  }
0x4c: {  	_ =	shalt  }

// kernel: kernel.9.cloned.1.call-start
scs
__scs_entry_jumppad:
0x0: {  	(pc) =	sbr.rel $0x88, $3  }
0x1: {  	(tag) =	ssettag $0x0;
	lr =	simm.s32 $0x1  }
0x2: {  	[smem:$0x3F99] =	sst lr;
	_ =	strace $0xD0000000  }
0x3: {  	_ = 	snop  }
0x4: {  	_ = 	snop  }
0x5: {  	_ = 	snop  }
0x6: {  	_ = 	snop  }
0x7: {  	_ = 	snop  }
__scs_overlays_trampoline_lowered:
0x8: {  	[smem:$0x3FA8] =	sst s0  }
0x9: {  	[smem:$0x3FA9] =	sst s1  }
0xa: {  	[smem:$0x3FAA] =	sst s2  }
0xb: {  	[smem:$0x3FAB] =	sst s3  }
0xc: {  	[smem:$0x3FAC] =	sst s4  }
0xd: {  	[smem:$0x3FAD] =	sst s5  }
0xe: {  	[smem:$0x3FAE] =	sst s6  }
0xf: {  	[smem:$0x3FAF] =	sst s7  }
0x10: {  	[smem:$0x3FB0] =	sst s8  }
0x11: {  	[smem:$0x3FB1] =	sst s9;
	s0 =	simm.s32 @!p0 $0x0  }
0x12: {  	s1 =	sld [smem:$0x3F97];
	s0 =	simm.s32 @p0 $0x1  }
0x13: {  	[smem:$0x3FB2] =	sst s0;
	s0 =	simm.s32 @!p1 $0x0  }
0x14: {  	s2 =	sld [smem:$0x3F96];
	s0 =	simm.s32 @p1 $0x1  }
0x15: {  	[smem:$0x3FB3] =	sst s0;
	s0 =	simm.s32 @!p2 $0x0  }
0x16: {  	s3 =	sld [smem:$0x3FDB];
	s0 =	simm.s32 @p2 $0x1  }
0x17: {  	s4 =	simm.s32 $0x1BF5;
	[smem:$0x3FB5] =	sst s0  }
0x18: {  	s0 =	sld [smem:$0x3F98];
	_ =	swait.ge [sflag:s4], $0x0  }
0x19: {  	s7 =	sld [smem:$0x3F99]  }
0x1a: {  	s8 =	sadd.s32 $0xFFFFE003, lr  }
0x1b: {  	s9 =	sadd.s32 $0xFFFFFEF7, lr;
	s5 =	simm.s32 $0xFFFFFFFF;
	p2 =	slt.u32 s8, $0xFFFFF086  }
0x1c: {  	p1 =	slt.u32 s9, $0xF7A;
	s5 =	simm.s32 @!p2 $0x0  }
0x1d: {  	s5 =	simm.s32 @p1 $0x1;
	p0 =	seq.s32 s7, s2  }
0x1e: {  	s7 =	smul.u32 @!p0 $0xF7A, s2;
	p2 =	seq.s32 @!p0 s5, $0x0  }
0x1f: {  	s9 =	smul.u32 $0xF7A, s1;
	s8 =	simm.s32 @!p0 $0x1BF5;
	p2 =	por !p2, p0  }
0x20: {  	[sflag:s8] =	ssyncset.s32 @!p0 $0xFFFFF086;
	s6 =	sadd.s32 @!p0 s3, s7;
	s7 =	simm.s32 @!p0 $0x108  }
0x21: {  	s3 =	sadd.s32 s3, s9;
	s6 =	sadd.s32 @!p0 $0x88, s6;
	s7 =	simm.s32 @p2 $0x1082  }
0x22: {  	[simem:s7], [sflag:s8] =	dma.local @!p0 [hbm:s6], $0xF7A  }
0x23: {  	s9 =	sor.u32 $0xD0000000, s2;
	s6 =	simm.s32 $0x108;
	_ =	swait.ge @!p0 [sflag:s8], $0x0  }
0x24: {  	s3 =	sadd.s32 $0x88, s3;
	s6 =	simm.s32 @!p1 $0x1082;
	[sflag:s4] =	ssyncset.s32 $0xFFFFF086  }
0x25: {  	[simem:s6], [sflag:s4] =	dma.local [hbm:s3], $0xF7A  }
0x26: {  	[smem:$0x3F99] =	sst s1;
	(tag) =	ssettag s2;
	_ =	strace s9  }
0x27: {  	s1 =	sld [smem:$0x3FA9]  }
0x28: {  	s2 =	sld [smem:$0x3FAA]  }
0x29: {  	s4 =	sld [smem:$0x3FAC]  }
0x2a: {  	p0 =	seq.s32 s5, $0x0;
	s5 =	sld [smem:$0x3FAD]  }
0x2b: {  	s6 =	sld [smem:$0x3FAE]  }
0x2c: {  	s7 =	sld [smem:$0x3FAF]  }
0x2d: {  	s3 =	simm.s32 $0x108;
	s8 =	sld [smem:$0x3FB0]  }
0x2e: {  	s3 =	simm.s32 @!p0 $0x1082;
	s9 =	sld [smem:$0x3FB1]  }
0x2f: {  	lr =	sadd.s32 s0, s3;
	s0 =	sld [smem:$0x3FA8]  }
0x30: {  	s3 =	sld [smem:$0x3FAB]  }
0x31: {  	[smem:$0x3FB4] =	sst s10  }
0x32: {  	s10 =	sld [smem:$0x3FB2];
	_ =	sdelay $0x3  }
0x33: {  	p0 =	seq.s32 s10, $0x1;
	s10 =	sld [smem:$0x3FB4];
	_ =	sdelay $0x3  }
0x34: {  	[smem:$0x3FB4] =	sst s10  }
0x35: {  	s10 =	sld [smem:$0x3FB3];
	_ =	sdelay $0x3  }
0x36: {  	p1 =	seq.s32 s10, $0x1;
	s10 =	sld [smem:$0x3FB4];
	_ =	sdelay $0x3  }
0x37: {  	[smem:$0x3FB4] =	sst s10  }
0x38: {  	s10 =	sld [smem:$0x3FB5]  }
0x39: {  	_ = 	snop;
	(pc) =	sbr.ind lr, $3  }
0x3a: {  	_ = 	snop  }
0x3b: {  	_ = 	snop  }
0x3c: {  	p2 =	seq.s32 s10, $0x1;
	s10 =	sld [smem:$0x3FB4]  }
0x3d: {  	_ =	shalt  }
0x3e: {  	_ =	shalt  }
0x3f: {  	_ =	shalt  }
0x40: {  	_ =	shalt  }
0x41: {  	_ =	shalt  }
0x42: {  	_ =	shalt  }
0x43: {  	_ =	shalt  }
0x44: {  	_ =	shalt  }
0x45: {  	_ =	shalt  }
0x46: {  	_ =	shalt  }
0x47: {  	_ =	shalt  }
0x48: {  	_ =	shalt  }
0x49: {  	_ =	shalt  }
0x4a: {  	_ =	shalt  }
0x4b: {  	_ =	shalt  }
0x4c: {  	_ =	shalt  }
0x4d: {  	_ =	shalt  }
0x4e: {  	_ =	shalt  }
0x4f: {  	_ =	shalt  }
0x50: {  	_ =	shalt  }
0x51: {  	_ =	shalt  }
0x52: {  	_ =	shalt  }
0x53: {  	_ =	shalt  }
0x54: {  	_ =	shalt  }
0x55: {  	_ =	shalt  }
0x56: {  	_ =	shalt  }
0x57: {  	_ =	shalt  }
0x58: {  	_ =	shalt  }
0x59: {  	_ =	shalt  }
0x5a: {  	_ =	shalt  }
0x5b: {  	_ =	shalt  }
0x5c: {  	_ =	shalt  }
0x5d: {  	_ =	shalt  }
0x5e: {  	_ =	shalt  }
0x5f: {  	_ =	shalt  }
0x60: {  	_ =	shalt  }
0x61: {  	_ =	shalt  }
0x62: {  	_ =	shalt  }
0x63: {  	_ =	shalt  }
0x64: {  	_ =	shalt  }
0x65: {  	_ =	shalt  }
0x66: {  	_ =	shalt  }
0x67: {  	_ =	shalt  }
0x68: {  	_ =	shalt  }
0x69: {  	_ =	shalt  }
0x6a: {  	_ =	shalt  }
0x6b: {  	_ =	shalt  }
0x6c: {  	_ =	shalt  }
0x6d: {  	_ =	shalt  }
0x6e: {  	_ =	shalt  }
0x6f: {  	_ =	shalt  }
0x70: {  	_ =	shalt  }
0x71: {  	_ =	shalt  }
0x72: {  	_ =	shalt  }
0x73: {  	_ =	shalt  }
0x74: {  	_ =	shalt  }
0x75: {  	_ =	shalt  }
0x76: {  	_ =	shalt  }
0x77: {  	_ =	shalt  }
0x78: {  	_ =	shalt  }
0x79: {  	_ =	shalt  }
0x7a: {  	_ =	shalt  }
0x7b: {  	_ =	shalt  }
0x7c: {  	_ =	shalt  }
0x7d: {  	_ =	shalt  }
0x7e: {  	_ =	shalt  }
0x7f: {  	_ =	shalt  }
0x80: {  	_ =	shalt  }
0x81: {  	_ =	shalt  }
0x82: {  	_ =	shalt  }
0x83: {  	_ =	shalt  }
0x84: {  	_ =	shalt  }
0x85: {  	_ =	shalt  }
0x86: {  	_ =	shalt  }
0x87: {  	_ =	shalt  }
.Lfunc_end0:
.L_simem_size_0:
called_computation.1_lowered:
.L_overlay_start_0:
0x88: {  	s2 =	sld [smem:$0x3FD9]  }
0x89: {  	s3 =	sld [smem:$0x3FFE];
	_ =	sdelay $0x1  }
0x8a: {  	s1 =	srdreg.scid  }
0x8b: {  	s0 =	sand.u32 $0x1, s1  }
0x8c: {  	s17 =	sshll.u32 s0, $0xA;
	s2 =	sadd.s32 s3, s2  }
0x8d: {  	s2 =	sadd.s32 s2, s17  }
0x8e: {  	[smem:$0x3FC0] =	sst s2  }
0x8f: {  	_ = 	snop  }
0x90: {  	s2 =	sld [smem:$0x3FD0];
	(tm) =	ssettm $0x1  }
0x91: {  	s18 =	sld [smem:$0x3FFB];
	_ =	sdelay $0x3  }
0x92: {  	_ =	strace s18  }
0x93: {  	s3 =	sld [smem:$0x3FFC];
	_ =	sdelay $0x3  }
0x94: {  	_ =	strace s3  }
0x95: {  	s3 =	sld [smem:$0x3FFD];
	_ =	sdelay $0x3  }
0x96: {  	_ =	strace s3  }
0x97: {  	_ =	strace $0x8FFFFFFF  }
0x98: {  	s19 =	sld [smem:$0x3FDB];
	_ =	sdelay $0x1  }
0x99: {  	s4 =	simm.s32 $_scs_section_size  }
0x9a: {  	s5 =	simm.s32 $_size__tile_overlayer_lowered;
	s6 =	simm.s32 $_tile_overlayer_lowered  }
0x9b: {  	s22 =	simm.s32 $0x1BFF;
	s21 =	sshll.u32 s6, $0x1;
	s3 =	sadd.s32 s4, s19  }
0x9c: {  	s7 =	simm.s32 $0x0;
	s20 =	sshll.u32 s5, $0x1;
	s5 =	sadd.s32 s21, s3  }
0x9d: {  	[timem:s7], [sflag:s22] =	dma.local [hbm:s5], s20  }
0x9e: {  	_ =	swait.ge [sflag:s22], s20  }
0x9f: {  	s4 =	ssub.s32 $0x0, s20;
	[sflag:s22] =	ssyncset.done $0x0  }
0xa0: {  	[sflag:s22] =	ssyncadd.s32 s4;
	_ =	sdelay $0x1  }
0xa1: {  	s23 =	simm.s32 $0x1B8B  }
0xa2: {  	_ =	swait.ge [sflag:s23], $0x1  }
0xa3: {  	[sflag:s23] =	ssyncset.done $0x0  }
0xa4: {  	s25 =	simm.s32 $0x1B8E;
	s24 =	sld [smem:$0x3FFE];
	[sflag:s23] =	ssyncadd.s32 $0xFFFFFFFF  }
0xa5: {  	s26 =	simm.s32 $execute0_lowered;
	[smem:$0x3FD2] =	sst s25  }
0xa6: {  	s5 =	sshll.u32 s26, $0x1;
	_ =	strace $0x80000049;
	[dreg:$0x1] =	wrdreg $0xFFFFFFFF  }
0xa7: {  	s28 =	simm.s32 $_size_execute0_lowered;
	s3 =	sadd.s32 s3, s5;
	[dreg:$0x0] =	wrdreg $0x0  }
0xa8: {  	s5 =	sshll.u32 s28, $0x1;
	[dreg:$0x2] =	wrdreg s3  }
0xa9: {  	[dreg:$0x3] =	wrdreg s5  }
0xaa: {  	[dreg:$0x4] =	wrdreg $0xC0  }
0xab: {  	_ =	task [dreg:s7], $0x5FFFF  }
0xac: {  	[dreg:$0x1] =	wrdreg $0xFFFFFFFF  }
0xad: {  	[dreg:$0x0] =	wrdreg $0x60  }
0xae: {  	[dreg:$0x2] =	wrdreg s2  }
0xaf: {  	[dreg:$0x3] =	wrdreg s24  }
0xb0: {  	[dreg:$0x4] =	wrdreg $0x0  }
0xb1: {  	[dreg:$0x5] =	wrdreg $0x9  }
0xb2: {  	_ =	task.clear_ibuf [dreg:s7], $0x6FFFF;
	_ =	strace $0x90000049  }
0xb3: {  	s29 =	simm.s32 $0x9;
	_ =	strace $0x8000004B  }
0xb4: {  	_ =	swait.ge [sflag:s29], $0x1  }
0xb5: {  	[sflag:s29] =	ssyncadd.s32 $0xFFFFFFFF  }
0xb6: {  	_ =	strace $0x9000004B  }
0xb7: {  	_ =	sfence  }
0xb8: {  	s30 =	sld [smem:$0x0];
	_ =	sdelay $0x2  }
0xb9: {  	s31 =	sshll.u32 s1, $0xD;
	s1 =	sshrl.u32 s1, $0x2  }
0xba: {  	s3 =	sand.u32 $0x4000, s31;
	s1 =	sadd.s32 s1, s30  }
0xbb: {  	s0 =	sor.u32 s3, s0;
	s1 =	sshll.u32 s1, $0x11  }
0xbc: {  	s0 =	sor.u32 s1, s0  }
0xbd: {  	s0 =	sadd.s32 $0x8F2B, s0  }
0xbe: {  	[sflag:s0] =	ssyncadd.remote.s32 $0x1  }
0xbf: {  	_ =	sfence.sel $0xFFFF  }
0xc0: {  	[dreg:$0x0] =	wrdreg $0xFFFFFFFF;
	(pc) =	sbr.abs _section_cstart, $3  }
0xc1: {  	[dreg:$0x1] =	wrdreg $0xFFFFFFFF  }
0xc2: {  	_ =	task.clear_ibuf [dreg:s7], $0x2FFFF;
	_ =	strace $0x9FFFFFFF  }
0xc3: {  	(tm) =	ssettm $0x7FFFFFFF  }
tec
execute0_lowered:
.L_overlay_start_1:
0x0: {  	(tag) =	ssettag $0x1  }
0x1: {  	s2 =	rddreg [dreg:$0x0]  }
0x2: {  	s5 =	rddreg [dreg:$0x1]  }
0x3: {  	s3 =	rddreg [dreg:$0x2]  }
0x4: {  	s0 =	rddreg [dreg:$0x3];
	s1 =	stileid.u32  }
0x5: {  	s4 =	simm.s32 $0x0;
	s7 =	srdreg.scid;
	s6 =	smul.u32 $0xA00, s1  }
0x6: {  	s20 =	simm.s32 $0x17980;
	s21 =	simm.s32 $0x80;
	s26 =	smul.u32 $0x4E000, s1  }
0x7: {  	s22 =	simm.s32 $0x1;
	s23 =	simm.s32 $0x0;
	s16 =	smul.u32 $0x13800, s1  }
0x8: {  	[smem:$0x7FF] =	sst s4;
	s11 =	sand.u32 $0x1, s7;
	s18 =	smul.u32 $0xFFFFFF60, s1  }
0x9: {  	s12 =	sadd.s32 $0x2200, s5;
	s10 =	sadd.s32 $0x138000, s3;
	s15 =	smul.u32 $0x138800, s11  }
0xa: {  	p0 =	sne.s32 s1, $0xF;
	s28 =	ssub.s32 $0x2, s11;
	s17 =	smul.u32 $0xFFFFFFB0, s11  }
0xb: {  	_ =	strace $0x8000004A;
	s19 =	smul.u32 $0x500, s11;
	s29 =	sshrl.u32 s28, $0x1  }
0xc: {  	s13 =	sadd.s32 s6, s5;
	s7 =	sshrl.u32 s26, $0x2;
	s14 =	ssub.s32 s28, s29  }
0xd: {  	s5 =	sadd.s32 s7, s3;
	s16 =	sadd.s32 s16, s15;
	s15 =	sshrl.u32 s15, $0x3  }
0xe: {  	s30 =	sadd.s32 s18, s17;
	s31 =	sadd.s32 s19, s13;
	s17 =	simm.s32 $0x13900  }
0xf: {  	s18 =	simm.s32 $0x2;
	s19 =	simm.s32 $0x17900;
	s6 =	sadd.s32 $0x4000, s5  }
0x10: {  	s7 =	sadd.s32 $0x8000, s5;
	s8 =	sadd.s32 $0xC000, s5;
	s16 =	sshrl.u32 s16, $0x3  }
0x11: {  	s9 =	sadd.s32 $0x10000, s5;
	s14 =	smax.u32 s14, $0x1;
	s11 =	sadd.s32 s12, s16  }
0x12: {  	s12 =	sadd.s32 s12, s15;
	s15 =	sadd.s32 $0x9C4, s30;
	s16 =	sadd.s32 $0x50400, s31  }
0x13: {  	v0 =	vimm.f32 $0.0e+00;
	s12 =	sadd.s32 $0x27000, s12;
	s13 =	smin.u32 s15, $0x50;
	s15 =	sadd.s32 $0x5A400, s31  }
.LBB2_1:
0x14: {  	s24 =	sand.u32 $0xFE00, s4  }
0x15: {  	s25 =	sand.u32 $0x70, s4;
	s26 =	sshrl.u32 s24, $0x2  }
0x16: {  	s24 =	simm.s32 $0x40;
	s26 =	sor.u32 s25, s26;
	s25 =	simm.s32 $0x0  }
.LBB2_2:
0x17: {  	p1 =	sne.s32 s24, $0xFFC0  }
0x18: {  	[tilespmem:s26+$0x13900] =	vst v0;
	s25 =	sadd.s32 $0x10, s25;
	s26 =	smov.u32 s24;
	s24 =	sadd.s32 $0x40, s24  }
.Ltmp0:
0x19: {  	(pc) =	sbr.rel @p1 .LBB2_2-.Ltmp0, $4  }
0x1a: {  	_ = 	snop  }
0x1b: {  	s26 =	sand.u32 $0xFE00, s26  }
0x1c: {  	s28 =	sand.u32 $0x70, s25;
	s26 =	sshrl.u32 s26, $0x2  }
0x1d: {  	s26 =	sor.u32 s28, s26  }
0x1e: {  	[tilespmem:s26+$0x13900] =	vst v0  }
0x1f: {  	[spmem:s5] =	stream.linear.scatter [tilespmem:s17], [sflag:$0x2], $0x4000, $0x38;
	[tilespmem:$0x17A00] =	vst v63  }
0x20: {  	_ =	swait.ge [sflag:s18], $0x4000  }
0x21: {  	[sflag:s18] =	ssyncset.done $0x0  }
0x22: {  	[sflag:s18] =	ssyncadd.s32 $0xFFFFC000  }
0x23: {  	[spmem:s6] =	stream.linear.scatter [tilespmem:s17], [sflag:$0x2], $0x4000, $0x38;
	[tilespmem:$0x17A00] =	vst v63  }
0x24: {  	_ =	swait.ge [sflag:s18], $0x4000  }
0x25: {  	[sflag:s18] =	ssyncset.done $0x0  }
0x26: {  	[sflag:s18] =	ssyncadd.s32 $0xFFFFC000  }
0x27: {  	[spmem:s7] =	stream.linear.scatter [tilespmem:s17], [sflag:$0x2], $0x4000, $0x38;
	[tilespmem:$0x17A00] =	vst v63  }
0x28: {  	_ =	swait.ge [sflag:s18], $0x4000  }
0x29: {  	[sflag:s18] =	ssyncset.done $0x0  }
0x2a: {  	[sflag:s18] =	ssyncadd.s32 $0xFFFFC000  }
0x2b: {  	[spmem:s8] =	stream.linear.scatter [tilespmem:s17], [sflag:$0x2], $0x4000, $0x38;
	[tilespmem:$0x17A00] =	vst v63  }
0x2c: {  	_ =	swait.ge [sflag:s18], $0x4000  }
0x2d: {  	[sflag:s18] =	ssyncset.done $0x0  }
0x2e: {  	[sflag:s18] =	ssyncadd.s32 $0xFFFFC000  }
0x2f: {  	[spmem:s9] =	stream.linear.scatter [tilespmem:s17], [sflag:$0x2], $0x3800, $0x38;
	[tilespmem:$0x17A00] =	vst v63  }
0x30: {  	_ =	swait.ge [sflag:s18], $0x3800  }
0x31: {  	[sflag:s18] =	ssyncset.done $0x0  }
0x32: {  	s24 =	simm.s32 @!p0 $0x13900;
	[sflag:s18] =	ssyncadd.s32 $0xFFFFC800  }
0x33: {  	[spmem:s10] =	stream.linear.scatter @!p0 [tilespmem:s24], [sflag:$0x2], $0x1000, $0x38;
	[tilespmem:$0x17A00] =	vst v63  }
0x34: {  	s24 =	simm.s32 @!p0 $0x2  }
0x35: {  	_ =	swait.ge @!p0 [sflag:s24], $0x1000  }
0x36: {  	[sflag:s24] =	ssyncset.done @!p0 $0x0  }
0x37: {  	[sflag:s24] =	ssyncadd.s32 @!p0 $0xFFFFF000  }
0x38: {  	[bflag:$0x0] =	sbarrier.arrive $0xFFFF  }
0x39: {  	[tilespmem:s19], [sflag:$0x2] =	stream.linear.gather [hbm4b:s16+s4], $0x80, $0x38;
	[tilespmem:$0x17A00] =	vst v63  }
0x3a: {  	_ =	swait.ge [sflag:s18], $0x80  }
0x3b: {  	[sflag:s18] =	ssyncset.done $0x0  }
0x3c: {  	[sflag:s18] =	ssyncadd.s32 $0xFFFFFF80  }
0x3d: {  	[tilespmem:s20], [sflag:$0x2] =	stream.linear.gather [hbm4b:s15+s4], $0x80, $0x38;
	[tilespmem:$0x17A00] =	vst v63  }
0x3e: {  	_ =	swait.ge [sflag:s18], $0x80  }
0x3f: {  	[sflag:s18] =	ssyncset.done $0x0  }
0x40: {  	[sflag:s18] =	ssyncadd.s32 $0xFFFFFF80  }
0x41: {  	[tilespmem:s17], [sflag:$0x1] =	stream.indirect.gather [hbm4b:s2+s21], $0x80, s19, s21, $0xb8;
	[tilespmem:$0x17A00] =	vst v63  }
0x42: {  	p1 =	sne.s32 s13, $0x1;
	_ =	swait.ge [sflag:s22], $0x4000  }
.Ltmp1:
0x43: {  	[sflag:s22] =	ssyncset.done $0x0;
	(pc) =	sbr.rel @!p1 .LBB2_5-.Ltmp1, $4  }
0x44: {  	[sflag:s22] =	ssyncadd.s32 $0xFFFFC000  }
0x45: {  	[spmem:s3] =	stream.indirect.scatter.add.f32 [tilespmem:s17], [sflag:$0x2], $0x80, s20, s21, $0xb8;
	[tilespmem:$0x17A00] =	vst v63  }
0x46: {  	s25 =	sadd.s32 $0xFFFFFFFF, s13;
	_ =	swait.ge [sflag:s18], $0x4000  }
0x47: {  	s26 =	smov.u32 s15;
	s28 =	smov.u32 s16;
	[sflag:s18] =	ssyncset.done $0x0  }
.LBB2_4:
0x48: {  	[sflag:s18] =	ssyncadd.s32 $0xFFFFC000;
	s26 =	sadd.s32 $0x10, s26;
	s28 =	sadd.s32 $0x10, s28  }
0x49: {  	[tilespmem:s19], [sflag:$0x2] =	stream.linear.gather [hbm4b:s28+s4], $0x80, $0x38;
	[tilespmem:$0x17A00] =	vst v63  }
0x4a: {  	p1 =	sne.s32 s25, $0x1;
	s25 =	sadd.s32 $0xFFFFFFFF, s25;
	_ =	swait.ge [sflag:s18], $0x80  }
0x4b: {  	[sflag:s18] =	ssyncset.done $0x0  }
0x4c: {  	[sflag:s18] =	ssyncadd.s32 $0xFFFFFF80  }
0x4d: {  	[tilespmem:s20], [sflag:$0x2] =	stream.linear.gather [hbm4b:s26+s4], $0x80, $0x38;
	[tilespmem:$0x17A00] =	vst v63  }
0x4e: {  	_ =	swait.ge [sflag:s18], $0x80  }
0x4f: {  	[sflag:s18] =	ssyncset.done $0x0  }
0x50: {  	[sflag:s18] =	ssyncadd.s32 $0xFFFFFF80  }
0x51: {  	[tilespmem:s17], [sflag:$0x1] =	stream.indirect.gather [hbm4b:s2+s21], $0x80, s19, s21, $0xb8;
	[tilespmem:$0x17A00] =	vst v63  }
0x52: {  	_ =	swait.ge [sflag:s22], $0x4000  }
.Ltmp2:
0x53: {  	[sflag:s22] =	ssyncset.done $0x0;
	(pc) =	sbr.rel @p1 .LBB2_4-.Ltmp2, $4  }
0x54: {  	[sflag:s22] =	ssyncadd.s32 $0xFFFFC000  }
0x55: {  	[spmem:s3] =	stream.indirect.scatter.add.f32 [tilespmem:s17], [sflag:$0x2], $0x80, s20, s21, $0xb8;
	[tilespmem:$0x17A00] =	vst v63  }
0x56: {  	_ =	swait.ge [sflag:s18], $0x4000  }
0x57: {  	[sflag:s18] =	ssyncset.done $0x0  }
.LBB2_5:
0x58: {  	[sflag:s18] =	ssyncadd.s32 $0xFFFFC000;
	s25 =	sshll.u32 s1, $0x6  }
0x59: {  	s26 =	sshrl.u32 s5, $0x3;
	[bflag:$0x0] =	sbarrier.arrive $0xFFFF;
	s25 =	sor.u32 $0x1C02, s25  }
0x5a: {  	[hbm:s11], [sflag:s25] =	dma.local [spmem:s26], $0x2700  }
0x5b: {  	s23 =	sadd.s32 $0x1, s23;
	_ =	swait.ge [sflag:s18], $0x2700  }
0x5c: {  	p1 =	sne.s32 s23, s14;
	[sflag:s18] =	ssyncset.done $0x0  }
.Ltmp3:
0x5d: {  	s26 =	sshrl.u32 @!p0 s10, $0x3;
	[sflag:s18] =	ssyncadd.s32 $0xFFFFD900;
	(pc) =	sbr.rel @p1 .LBB2_1-.Ltmp3, $4  }
0x5e: {  	[hbm:s12], [sflag:s25] =	dma.local @!p0 [spmem:s26], $0x100  }
0x5f: {  	_ =	swait.ge @!p0 [sflag:s24], $0x100  }
0x60: {  	[sflag:s24] =	ssyncset.done @!p0 $0x0  }
0x61: {  	[sflag:s24] =	ssyncadd.s32 @!p0 $0xFFFFFF00  }
0x62: {  	_ =	sfence.sel $0x180000  }
0x63: {  	[bflag:$0x0] =	sbarrier.arrive $0xFFFF  }
0x64: {  	p0 =	sne.s32 s1, $0x0;
	_ =	strace $0x9000004A  }
0x65: {  	s0 =	sadd.s32 @!p0 $0x100000, s0;
	[bflag:$0x2] =	sbarrier.arrive $0xFFFF  }
0x66: {  	[sflag:s0] =	ssyncadd.tile.s32 @!p0 $0x1;
	_ =	shalt  }
.Lfunc_end2:
_tile_overlayer_lowered:
.L_overlay_start_2:
0x67: {  	(tag) =	ssettag $0x2  }
0x68: {  	s0 =	rddreg [dreg:$0x0];
	s2 =	stileid.u32  }
0x69: {  	s1 =	rddreg [dreg:$0x1];
	p0 =	sne.s32 s2, $0x0  }
0x6a: {  	s3 =	rddreg [dreg:$0x2];
	[bflag:$0x3] =	sbarrier.arrive $0xFFFF;
	s2 =	simm.s32 @!p0 $0x1C02  }
0x6b: {  	[timem:s3], [sflag:s2] =	dma.local @!p0 [hbm:s0], s1  }
0x6c: {  	s0 =	simm.s32 @!p0 $0x2  }
0x6d: {  	_ =	swait.ge @!p0 [sflag:s0], s1  }
0x6e: {  	s1 =	ssub.s32 @!p0 $0x0, s1;
	[sflag:s0] =	ssyncset.done @!p0 $0x0  }
0x6f: {  	[sflag:s0] =	ssyncadd.s32 @!p0 s1  }
0x70: {  	[bflag:$0x3] =	sbarrier.arrive $0xFFFF  }
0x71: {  	_ =	shalt  }

</sc_bundles>
